<compile_context>
chip_gen: v7x
topology: tpu7x:2x2x1
jax: 0.10.2.dev20260603
libtpu: 0.0.44.dev20260713+nightly
codegen_flags: <defaults>
</compile_context>

<pallas_src>
import functools

import jax
import jax.numpy as jnp
from jax import lax
from jax.experimental import pallas as pl
from jax.experimental.pallas import tpu as pltpu
from jax.experimental.pallas import tpu_sc as plsc

VOCAB = 100002
EMB_DIM = 128
BATCH = 1024
SEQ = 200
PAD_IX = 0

_NC = 2
_NS = 16
_NW = _NC * _NS

_RPW = BATCH // _NW
_NBUF = 4
_NGROUP = _RPW // _NBUF
_S0 = 128
_S1 = SEQ - _S0


def _sc_body(table_hbm, enc_hbm, out_hbm,
             idx_v, rows0, rows1, rows2, rows3,
             gsem0, gsem1, gsem2, gsem3):
    wid = lax.axis_index("s") * _NC + lax.axis_index("c")
    rbase = wid * _RPW
    fbase = wid * _RPW * SEQ

    pltpu.sync_copy(enc_hbm.at[pl.ds(rbase, _RPW)], idx_v)

    rows = (rows0, rows1, rows2, rows3)
    gsem = (gsem0, gsem1, gsem2, gsem3)

    def g0(c, b):
        return pltpu.make_async_copy(
            table_hbm.at[idx_v.at[c, pl.ds(0, _S0)]],
            rows[b].at[pl.ds(0, _S0)], gsem[b])

    def g1(c, b):
        return pltpu.make_async_copy(
            table_hbm.at[idx_v.at[c, pl.ds(_S0, _S1)]],
            rows[b].at[pl.ds(_S0, _S1)], gsem[b])

    def wb(c, b):
        pltpu.sync_copy(rows[b], out_hbm.at[pl.ds(fbase + c * SEQ, SEQ)])

    for b in range(_NBUF):
        g0(b, b).start()
        g1(b, b).start()

    def group_body(p, carry):
        c0 = p * _NBUF
        for b in range(_NBUF):
            g0(c0 + b, b).wait()
            g1(c0 + b, b).wait()
            wb(c0 + b, b)
            g0(c0 + b + _NBUF, b).start()
            g1(c0 + b + _NBUF, b).start()
        return carry

    lax.fori_loop(0, _NGROUP - 1, group_body, 0)

    c0 = (_NGROUP - 1) * _NBUF
    for b in range(_NBUF):
        g0(c0 + b, b).wait()
        g1(c0 + b, b).wait()
        wb(c0 + b, b)


def _mask_body(enc_ref, mask_ref):
    mask_ref[...] = jnp.where(enc_ref[...] != PAD_IX, 1, 0).astype(jnp.int32)


@jax.jit
def _embed(table, encoded):
    mesh = plsc.VectorSubcoreMesh(core_axis_name="c", subcore_axis_name="s")
    sc = functools.partial(
        pl.kernel,
        out_type=jax.ShapeDtypeStruct((BATCH * SEQ, EMB_DIM), jnp.float32),
        mesh=mesh,
        scratch_types=[
            pltpu.VMEM((_RPW, SEQ), jnp.int32),
            pltpu.VMEM((SEQ, EMB_DIM), jnp.float32),
            pltpu.VMEM((SEQ, EMB_DIM), jnp.float32),
            pltpu.VMEM((SEQ, EMB_DIM), jnp.float32),
            pltpu.VMEM((SEQ, EMB_DIM), jnp.float32),
            pltpu.SemaphoreType.DMA,
            pltpu.SemaphoreType.DMA,
            pltpu.SemaphoreType.DMA,
            pltpu.SemaphoreType.DMA,
        ],
        compiler_params=pltpu.CompilerParams(use_tc_tiling_on_sc=True),
    )(_sc_body)
    out_flat = sc(table, encoded)
    mask = pl.pallas_call(
        _mask_body,
        out_shape=jax.ShapeDtypeStruct((BATCH, SEQ), jnp.int32),
    )(encoded)
    return out_flat, mask


def kernel(encoded, table):
    out_flat, mask = _embed(table, encoded)
    return out_flat.reshape(BATCH, SEQ, EMB_DIM), mask, encoded

# --- scband reference (transcript-rebuilt; emitter-appended) ---
"""Pipeline reference for scband-word-embedder-3178275799656 (READ-ONLY COPY).

The authoritative reference and input builder live on the scoring server;
editing this copy changes nothing except your own understanding.
"""

import jax, jax.numpy as jnp
import numpy as np

VOCAB = 100002  # 100000 glove words + PAD(0) + UNK(1)
EMB_DIM = 128
BATCH = 1024
SEQ = 200
PAD_IX = 0


def setup_inputs(seed: int = 0) -> dict:
    key = jax.random.key(seed)
    k1, k2 = jax.random.split(key)
    encoded = jax.random.randint(k1, (BATCH, SEQ), 0, VOCAB, dtype=jnp.int64 if jax.config.jax_enable_x64 else jnp.int32).astype(jnp.int32)
    table = jax.random.normal(k2, (VOCAB, EMB_DIM), dtype=jnp.float32) * 0.1
    # row 0 is the PAD vector (zeros), mirroring index_to_vect[0] = zeros
    table = table.at[0].set(0.0)
    return {"encoded": encoded, "table": table}


def reference(encoded, table):
    # Faithful core of WordEmbedder.forward: embedding lookup over padded,
    # already-encoded token ids plus the validity mask.
    output = jnp.take(table, encoded, axis=0)          # [B, L, D]
    mask = (encoded != PAD_IX).astype(jnp.int32)       # [B, L]
    return output, mask, encoded

if __name__ == "__main__":
    import jax
    _d = setup_inputs()
    print(jax.jit(kernel)(*tuple(_d.values())))

</pallas_src>

<mosaic_0001>
#map = affine_map<(d0, d1) -> (0, 0)>
module attributes {stable_mosaic.version = 14 : i64} {
  func.func @_sc_body(%arg0: i32, %arg1: i32, %arg2: memref<100002x128xf32, #tpu.memory_space<hbm>>, %arg3: memref<1024x200xi32, #tpu.memory_space<hbm>>, %arg4: memref<204800x128xf32, #tpu.memory_space<hbm>>, %arg5: memref<32x200xi32, #tpu.memory_space<vmem>>, %arg6: memref<200x128xf32, #tpu.memory_space<vmem>>, %arg7: memref<200x128xf32, #tpu.memory_space<vmem>>, %arg8: memref<200x128xf32, #tpu.memory_space<vmem>>, %arg9: memref<200x128xf32, #tpu.memory_space<vmem>>, %arg10: memref<!tpu.dma_semaphore, #tpu.memory_space<semaphore_mem>>, %arg11: memref<!tpu.dma_semaphore, #tpu.memory_space<semaphore_mem>>, %arg12: memref<!tpu.dma_semaphore, #tpu.memory_space<semaphore_mem>>, %arg13: memref<!tpu.dma_semaphore, #tpu.memory_space<semaphore_mem>>) attributes {dimension_semantics = [#tpu.dimension_semantics<core_parallel>, #tpu.dimension_semantics<subcore_parallel>], iteration_bounds = array<i64: 2, 16>, scalar_prefetch = 0 : i64, scratch_operands = 9 : i64, tpu.core_type = #tpu.core_type<sc_vector_subcore>, window_params = [{transform_indices = #map}, {transform_indices = #map}, {transform_indices = #map}]} {
    %mul3A = arith.constant 2 : i32
    %mul3A_0 = arith.muli %arg1, %mul3A : i32
    %add3A = arith.addi %mul3A_0, %arg0 : i32
    %mul3A_1 = arith.constant 32 : i32
    %mul3A_2 = arith.muli %add3A, %mul3A_1 : i32
    %mul3A_3 = arith.constant 32 : i32
    %mul3A_4 = arith.muli %add3A, %mul3A_3 : i32
    %mul3A_5 = arith.constant 200 : i32
    %mul3A_6 = arith.muli %mul3A_4, %mul3A_5 : i32
    "tpu.region"() ({
      %run_scoped3A = tpu.sem_alloc : memref<!tpu.dma_semaphore, #tpu.memory_space<semaphore_mem>>
      %dma_start3A_178 = arith.constant 0 : i32
      %dma_start3A_179 = tpu.memref_slice %arg3[%mul3A_2, %dma_start3A_178] : memref<1024x200xi32, #tpu.memory_space<hbm>> -> memref<32x200xi32, #tpu.memory_space<hbm>>
      %dma_start3A_180 = arith.constant 0 : i32
      %dma_start3A_181 = tpu.memref_slice %arg3[%mul3A_2, %dma_start3A_180] : memref<1024x200xi32, #tpu.memory_space<hbm>> -> memref<32x200xi32, #tpu.memory_space<hbm>>
      tpu.enqueue_dma source(%dma_start3A_181 : memref<32x200xi32, #tpu.memory_space<hbm>>) target(%arg5 : memref<32x200xi32, #tpu.memory_space<vmem>>) target_semaphore(%run_scoped3A : memref<!tpu.dma_semaphore, #tpu.memory_space<semaphore_mem>>)
      %dma_wait3A_182 = arith.constant 0 : i32
      %dma_wait3A_183 = tpu.memref_slice %arg3[%mul3A_2, %dma_wait3A_182] : memref<1024x200xi32, #tpu.memory_space<hbm>> -> memref<32x200xi32, #tpu.memory_space<hbm>>
      %dma_wait3A_184 = arith.constant 0 : i32
      %dma_wait3A_185 = tpu.memref_slice %arg3[%mul3A_2, %dma_wait3A_184] : memref<1024x200xi32, #tpu.memory_space<hbm>> -> memref<32x200xi32, #tpu.memory_space<hbm>>
      tpu.wait_dma2 semaphore(%run_scoped3A : memref<!tpu.dma_semaphore, #tpu.memory_space<semaphore_mem>>) src(%dma_wait3A_185 : memref<32x200xi32, #tpu.memory_space<hbm>>) dst(%arg5 : memref<32x200xi32, #tpu.memory_space<vmem>>)
      tpu.yield
    }) : () -> ()
    %dma_start3A = arith.constant 0 : i32
    %dma_start3A_7 = arith.constant 0 : i32
    %dma_start3A_8 = arith.constant 0 : i32
    %dma_start3A_9 = tpu.memref_slice %arg6[%dma_start3A_7, %dma_start3A_8] : memref<200x128xf32, #tpu.memory_space<vmem>> -> memref<128x128xf32, #tpu.memory_space<vmem>>
    %dma_start3A_10 = arith.constant 0 : i32
    %dma_start3A_11 = tpu.memref_slice %arg5[%dma_start3A, %dma_start3A_10] : memref<32x200xi32, #tpu.memory_space<vmem>> -> memref<1x128xi32, #tpu.memory_space<vmem>>
    %dma_start3A_12 = tpu.memref_squeeze %dma_start3A_11 : memref<1x128xi32, #tpu.memory_space<vmem>> -> memref<128xi32, #tpu.memory_space<vmem>>
    %dma_start3A_13 = arith.constant 0 : i32
    %dma_start3A_14 = arith.constant 0 : i32
    %dma_start3A_15 = tpu.memref_slice %arg2[%dma_start3A_13, %dma_start3A_14] : memref<100002x128xf32, #tpu.memory_space<hbm>> -> memref<100002x128xf32, #tpu.memory_space<hbm>>
    tpu.enqueue_indirect_dma source(%dma_start3A_15 : memref<100002x128xf32, #tpu.memory_space<hbm>>) target(%dma_start3A_9 : memref<128x128xf32, #tpu.memory_space<vmem>>) offsets(%dma_start3A_12 : memref<128xi32, #tpu.memory_space<vmem>>) semaphore(%arg10 : memref<!tpu.dma_semaphore, #tpu.memory_space<semaphore_mem>>)
    %dma_start3A_16 = arith.constant 0 : i32
    %dma_start3A_17 = arith.constant 128 : i32
    %dma_start3A_18 = arith.constant 0 : i32
    %dma_start3A_19 = tpu.memref_slice %arg6[%dma_start3A_17, %dma_start3A_18] : memref<200x128xf32, #tpu.memory_space<vmem>> -> memref<72x128xf32, #tpu.memory_space<vmem>>
    %dma_start3A_20 = arith.constant 128 : i32
    %dma_start3A_21 = tpu.memref_slice %arg5[%dma_start3A_16, %dma_start3A_20] : memref<32x200xi32, #tpu.memory_space<vmem>> -> memref<1x72xi32, #tpu.memory_space<vmem>>
    %dma_start3A_22 = tpu.memref_squeeze %dma_start3A_21 : memref<1x72xi32, #tpu.memory_space<vmem>> -> memref<72xi32, #tpu.memory_space<vmem>>
    %dma_start3A_23 = arith.constant 0 : i32
    %dma_start3A_24 = arith.constant 0 : i32
    %dma_start3A_25 = tpu.memref_slice %arg2[%dma_start3A_23, %dma_start3A_24] : memref<100002x128xf32, #tpu.memory_space<hbm>> -> memref<100002x128xf32, #tpu.memory_space<hbm>>
    tpu.enqueue_indirect_dma source(%dma_start3A_25 : memref<100002x128xf32, #tpu.memory_space<hbm>>) target(%dma_start3A_19 : memref<72x128xf32, #tpu.memory_space<vmem>>) offsets(%dma_start3A_22 : memref<72xi32, #tpu.memory_space<vmem>>) semaphore(%arg10 : memref<!tpu.dma_semaphore, #tpu.memory_space<semaphore_mem>>)
    %dma_start3A_26 = arith.constant 1 : i32
    %dma_start3A_27 = arith.constant 0 : i32
    %dma_start3A_28 = arith.constant 0 : i32
    %dma_start3A_29 = tpu.memref_slice %arg7[%dma_start3A_27, %dma_start3A_28] : memref<200x128xf32, #tpu.memory_space<vmem>> -> memref<128x128xf32, #tpu.memory_space<vmem>>
    %dma_start3A_30 = arith.constant 0 : i32
    %dma_start3A_31 = tpu.memref_slice %arg5[%dma_start3A_26, %dma_start3A_30] : memref<32x200xi32, #tpu.memory_space<vmem>> -> memref<1x128xi32, #tpu.memory_space<vmem>>
    %dma_start3A_32 = tpu.memref_squeeze %dma_start3A_31 : memref<1x128xi32, #tpu.memory_space<vmem>> -> memref<128xi32, #tpu.memory_space<vmem>>
    %dma_start3A_33 = arith.constant 0 : i32
    %dma_start3A_34 = arith.constant 0 : i32
    %dma_start3A_35 = tpu.memref_slice %arg2[%dma_start3A_33, %dma_start3A_34] : memref<100002x128xf32, #tpu.memory_space<hbm>> -> memref<100002x128xf32, #tpu.memory_space<hbm>>
    tpu.enqueue_indirect_dma source(%dma_start3A_35 : memref<100002x128xf32, #tpu.memory_space<hbm>>) target(%dma_start3A_29 : memref<128x128xf32, #tpu.memory_space<vmem>>) offsets(%dma_start3A_32 : memref<128xi32, #tpu.memory_space<vmem>>) semaphore(%arg11 : memref<!tpu.dma_semaphore, #tpu.memory_space<semaphore_mem>>)
    %dma_start3A_36 = arith.constant 1 : i32
    %dma_start3A_37 = arith.constant 128 : i32
    %dma_start3A_38 = arith.constant 0 : i32
    %dma_start3A_39 = tpu.memref_slice %arg7[%dma_start3A_37, %dma_start3A_38] : memref<200x128xf32, #tpu.memory_space<vmem>> -> memref<72x128xf32, #tpu.memory_space<vmem>>
    %dma_start3A_40 = arith.constant 128 : i32
    %dma_start3A_41 = tpu.memref_slice %arg5[%dma_start3A_36, %dma_start3A_40] : memref<32x200xi32, #tpu.memory_space<vmem>> -> memref<1x72xi32, #tpu.memory_space<vmem>>
    %dma_start3A_42 = tpu.memref_squeeze %dma_start3A_41 : memref<1x72xi32, #tpu.memory_space<vmem>> -> memref<72xi32, #tpu.memory_space<vmem>>
    %dma_start3A_43 = arith.constant 0 : i32
    %dma_start3A_44 = arith.constant 0 : i32
    %dma_start3A_45 = tpu.memref_slice %arg2[%dma_start3A_43, %dma_start3A_44] : memref<100002x128xf32, #tpu.memory_space<hbm>> -> memref<100002x128xf32, #tpu.memory_space<hbm>>
    tpu.enqueue_indirect_dma source(%dma_start3A_45 : memref<100002x128xf32, #tpu.memory_space<hbm>>) target(%dma_start3A_39 : memref<72x128xf32, #tpu.memory_space<vmem>>) offsets(%dma_start3A_42 : memref<72xi32, #tpu.memory_space<vmem>>) semaphore(%arg11 : memref<!tpu.dma_semaphore, #tpu.memory_space<semaphore_mem>>)
    %dma_start3A_46 = arith.constant 2 : i32
    %dma_start3A_47 = arith.constant 0 : i32
    %dma_start3A_48 = arith.constant 0 : i32
    %dma_start3A_49 = tpu.memref_slice %arg8[%dma_start3A_47, %dma_start3A_48] : memref<200x128xf32, #tpu.memory_space<vmem>> -> memref<128x128xf32, #tpu.memory_space<vmem>>
    %dma_start3A_50 = arith.constant 0 : i32
    %dma_start3A_51 = tpu.memref_slice %arg5[%dma_start3A_46, %dma_start3A_50] : memref<32x200xi32, #tpu.memory_space<vmem>> -> memref<1x128xi32, #tpu.memory_space<vmem>>
    %dma_start3A_52 = tpu.memref_squeeze %dma_start3A_51 : memref<1x128xi32, #tpu.memory_space<vmem>> -> memref<128xi32, #tpu.memory_space<vmem>>
    %dma_start3A_53 = arith.constant 0 : i32
    %dma_start3A_54 = arith.constant 0 : i32
    %dma_start3A_55 = tpu.memref_slice %arg2[%dma_start3A_53, %dma_start3A_54] : memref<100002x128xf32, #tpu.memory_space<hbm>> -> memref<100002x128xf32, #tpu.memory_space<hbm>>
    tpu.enqueue_indirect_dma source(%dma_start3A_55 : memref<100002x128xf32, #tpu.memory_space<hbm>>) target(%dma_start3A_49 : memref<128x128xf32, #tpu.memory_space<vmem>>) offsets(%dma_start3A_52 : memref<128xi32, #tpu.memory_space<vmem>>) semaphore(%arg12 : memref<!tpu.dma_semaphore, #tpu.memory_space<semaphore_mem>>)
    %dma_start3A_56 = arith.constant 2 : i32
    %dma_start3A_57 = arith.constant 128 : i32
    %dma_start3A_58 = arith.constant 0 : i32
    %dma_start3A_59 = tpu.memref_slice %arg8[%dma_start3A_57, %dma_start3A_58] : memref<200x128xf32, #tpu.memory_space<vmem>> -> memref<72x128xf32, #tpu.memory_space<vmem>>
    %dma_start3A_60 = arith.constant 128 : i32
    %dma_start3A_61 = tpu.memref_slice %arg5[%dma_start3A_56, %dma_start3A_60] : memref<32x200xi32, #tpu.memory_space<vmem>> -> memref<1x72xi32, #tpu.memory_space<vmem>>
    %dma_start3A_62 = tpu.memref_squeeze %dma_start3A_61 : memref<1x72xi32, #tpu.memory_space<vmem>> -> memref<72xi32, #tpu.memory_space<vmem>>
    %dma_start3A_63 = arith.constant 0 : i32
    %dma_start3A_64 = arith.constant 0 : i32
    %dma_start3A_65 = tpu.memref_slice %arg2[%dma_start3A_63, %dma_start3A_64] : memref<100002x128xf32, #tpu.memory_space<hbm>> -> memref<100002x128xf32, #tpu.memory_space<hbm>>
    tpu.enqueue_indirect_dma source(%dma_start3A_65 : memref<100002x128xf32, #tpu.memory_space<hbm>>) target(%dma_start3A_59 : memref<72x128xf32, #tpu.memory_space<vmem>>) offsets(%dma_start3A_62 : memref<72xi32, #tpu.memory_space<vmem>>) semaphore(%arg12 : memref<!tpu.dma_semaphore, #tpu.memory_space<semaphore_mem>>)
    %dma_start3A_66 = arith.constant 3 : i32
    %dma_start3A_67 = arith.constant 0 : i32
    %dma_start3A_68 = arith.constant 0 : i32
    %dma_start3A_69 = tpu.memref_slice %arg9[%dma_start3A_67, %dma_start3A_68] : memref<200x128xf32, #tpu.memory_space<vmem>> -> memref<128x128xf32, #tpu.memory_space<vmem>>
    %dma_start3A_70 = arith.constant 0 : i32
    %dma_start3A_71 = tpu.memref_slice %arg5[%dma_start3A_66, %dma_start3A_70] : memref<32x200xi32, #tpu.memory_space<vmem>> -> memref<1x128xi32, #tpu.memory_space<vmem>>
    %dma_start3A_72 = tpu.memref_squeeze %dma_start3A_71 : memref<1x128xi32, #tpu.memory_space<vmem>> -> memref<128xi32, #tpu.memory_space<vmem>>
    %dma_start3A_73 = arith.constant 0 : i32
    %dma_start3A_74 = arith.constant 0 : i32
    %dma_start3A_75 = tpu.memref_slice %arg2[%dma_start3A_73, %dma_start3A_74] : memref<100002x128xf32, #tpu.memory_space<hbm>> -> memref<100002x128xf32, #tpu.memory_space<hbm>>
    tpu.enqueue_indirect_dma source(%dma_start3A_75 : memref<100002x128xf32, #tpu.memory_space<hbm>>) target(%dma_start3A_69 : memref<128x128xf32, #tpu.memory_space<vmem>>) offsets(%dma_start3A_72 : memref<128xi32, #tpu.memory_space<vmem>>) semaphore(%arg13 : memref<!tpu.dma_semaphore, #tpu.memory_space<semaphore_mem>>)
    %dma_start3A_76 = arith.constant 3 : i32
    %dma_start3A_77 = arith.constant 128 : i32
    %dma_start3A_78 = arith.constant 0 : i32
    %dma_start3A_79 = tpu.memref_slice %arg9[%dma_start3A_77, %dma_start3A_78] : memref<200x128xf32, #tpu.memory_space<vmem>> -> memref<72x128xf32, #tpu.memory_space<vmem>>
    %dma_start3A_80 = arith.constant 128 : i32
    %dma_start3A_81 = tpu.memref_slice %arg5[%dma_start3A_76, %dma_start3A_80] : memref<32x200xi32, #tpu.memory_space<vmem>> -> memref<1x72xi32, #tpu.memory_space<vmem>>
    %dma_start3A_82 = tpu.memref_squeeze %dma_start3A_81 : memref<1x72xi32, #tpu.memory_space<vmem>> -> memref<72xi32, #tpu.memory_space<vmem>>
    %dma_start3A_83 = arith.constant 0 : i32
    %dma_start3A_84 = arith.constant 0 : i32
    %dma_start3A_85 = tpu.memref_slice %arg2[%dma_start3A_83, %dma_start3A_84] : memref<100002x128xf32, #tpu.memory_space<hbm>> -> memref<100002x128xf32, #tpu.memory_space<hbm>>
    tpu.enqueue_indirect_dma source(%dma_start3A_85 : memref<100002x128xf32, #tpu.memory_space<hbm>>) target(%dma_start3A_79 : memref<72x128xf32, #tpu.memory_space<vmem>>) offsets(%dma_start3A_82 : memref<72xi32, #tpu.memory_space<vmem>>) semaphore(%arg13 : memref<!tpu.dma_semaphore, #tpu.memory_space<semaphore_mem>>)
    %scan3A = arith.constant 0 : i32
    %scan3A_86 = arith.constant 0 : i32
    %scan3A_87 = arith.constant 7 : i32
    %scan3A_88 = arith.addi %scan3A_86, %scan3A_87 : i32
    %scan3A_89 = arith.constant 1 : i32
    scf.for %scan3A_178 = %scan3A_86 to %scan3A_88 step %scan3A_89  : i32 {
      %mul3A_179 = arith.constant 4 : i32
      %mul3A_180 = arith.muli %scan3A_178, %mul3A_179 : i32
      %add3A_181 = arith.constant 0 : i32
      %add3A_182 = arith.addi %mul3A_180, %add3A_181 : i32
      %dma_wait3A_183 = arith.constant 0 : i32
      %dma_wait3A_184 = arith.constant 0 : i32
      %dma_wait3A_185 = tpu.memref_slice %arg6[%dma_wait3A_183, %dma_wait3A_184] : memref<200x128xf32, #tpu.memory_space<vmem>> -> memref<128x128xf32, #tpu.memory_space<vmem>>
      %dma_wait3A_186 = arith.constant 0 : i32
      %dma_wait3A_187 = tpu.memref_slice %arg5[%add3A_182, %dma_wait3A_186] : memref<32x200xi32, #tpu.memory_space<vmem>> -> memref<1x128xi32, #tpu.memory_space<vmem>>
      %dma_wait3A_188 = tpu.memref_squeeze %dma_wait3A_187 : memref<1x128xi32, #tpu.memory_space<vmem>> -> memref<128xi32, #tpu.memory_space<vmem>>
      %dma_wait3A_189 = arith.constant 0 : i32
      %dma_wait3A_190 = arith.constant 0 : i32
      %dma_wait3A_191 = tpu.memref_slice %arg2[%dma_wait3A_189, %dma_wait3A_190] : memref<100002x128xf32, #tpu.memory_space<hbm>> -> memref<100002x128xf32, #tpu.memory_space<hbm>>
      tpu.wait_indirect_dma semaphore(%arg10 : memref<!tpu.dma_semaphore, #tpu.memory_space<semaphore_mem>>) src(%dma_wait3A_191 : memref<100002x128xf32, #tpu.memory_space<hbm>>) dst(%dma_wait3A_185 : memref<128x128xf32, #tpu.memory_space<vmem>>)
      %add3A_192 = arith.constant 0 : i32
      %add3A_193 = arith.addi %mul3A_180, %add3A_192 : i32
      %dma_wait3A_194 = arith.constant 128 : i32
      %dma_wait3A_195 = arith.constant 0 : i32
      %dma_wait3A_196 = tpu.memref_slice %arg6[%dma_wait3A_194, %dma_wait3A_195] : memref<200x128xf32, #tpu.memory_space<vmem>> -> memref<72x128xf32, #tpu.memory_space<vmem>>
      %dma_wait3A_197 = arith.constant 128 : i32
      %dma_wait3A_198 = tpu.memref_slice %arg5[%add3A_193, %dma_wait3A_197] : memref<32x200xi32, #tpu.memory_space<vmem>> -> memref<1x72xi32, #tpu.memory_space<vmem>>
      %dma_wait3A_199 = tpu.memref_squeeze %dma_wait3A_198 : memref<1x72xi32, #tpu.memory_space<vmem>> -> memref<72xi32, #tpu.memory_space<vmem>>
      %dma_wait3A_200 = arith.constant 0 : i32
      %dma_wait3A_201 = arith.constant 0 : i32
      %dma_wait3A_202 = tpu.memref_slice %arg2[%dma_wait3A_200, %dma_wait3A_201] : memref<100002x128xf32, #tpu.memory_space<hbm>> -> memref<100002x128xf32, #tpu.memory_space<hbm>>
      tpu.wait_indirect_dma semaphore(%arg10 : memref<!tpu.dma_semaphore, #tpu.memory_space<semaphore_mem>>) src(%dma_wait3A_202 : memref<100002x128xf32, #tpu.memory_space<hbm>>) dst(%dma_wait3A_196 : memref<72x128xf32, #tpu.memory_space<vmem>>)
      %add3A_203 = arith.constant 0 : i32
      %add3A_204 = arith.addi %mul3A_180, %add3A_203 : i32
      %mul3A_205 = arith.constant 200 : i32
      %mul3A_206 = arith.muli %add3A_204, %mul3A_205 : i32
      %add3A_207 = arith.addi %mul3A_6, %mul3A_206 : i32
      "tpu.region"() ({
        %run_scoped3A = tpu.sem_alloc : memref<!tpu.dma_semaphore, #tpu.memory_space<semaphore_mem>>
        %dma_start3A_393 = arith.constant 0 : i32
        %dma_start3A_394 = tpu.memref_slice %arg4[%add3A_207, %dma_start3A_393] : memref<204800x128xf32, #tpu.memory_space<hbm>> -> memref<200x128xf32, #tpu.memory_space<hbm>>
        %dma_start3A_395 = arith.constant 0 : i32
        %dma_start3A_396 = tpu.memref_slice %arg4[%add3A_207, %dma_start3A_395] : memref<204800x128xf32, #tpu.memory_space<hbm>> -> memref<200x128xf32, #tpu.memory_space<hbm>>
        tpu.enqueue_dma source(%arg6 : memref<200x128xf32, #tpu.memory_space<vmem>>) target(%dma_start3A_396 : memref<200x128xf32, #tpu.memory_space<hbm>>) target_semaphore(%run_scoped3A : memref<!tpu.dma_semaphore, #tpu.memory_space<semaphore_mem>>)
        %dma_wait3A_397 = arith.constant 0 : i32
        %dma_wait3A_398 = tpu.memref_slice %arg4[%add3A_207, %dma_wait3A_397] : memref<204800x128xf32, #tpu.memory_space<hbm>> -> memref<200x128xf32, #tpu.memory_space<hbm>>
        %dma_wait3A_399 = arith.constant 0 : i32
        %dma_wait3A_400 = tpu.memref_slice %arg4[%add3A_207, %dma_wait3A_399] : memref<204800x128xf32, #tpu.memory_space<hbm>> -> memref<200x128xf32, #tpu.memory_space<hbm>>
        tpu.wait_dma2 semaphore(%run_scoped3A : memref<!tpu.dma_semaphore, #tpu.memory_space<semaphore_mem>>) src(%arg6 : memref<200x128xf32, #tpu.memory_space<vmem>>) dst(%dma_wait3A_400 : memref<200x128xf32, #tpu.memory_space<hbm>>)
        tpu.yield
      }) : () -> ()
      %add3A_208 = arith.constant 0 : i32
      %add3A_209 = arith.addi %mul3A_180, %add3A_208 : i32
      %add3A_210 = arith.constant 4 : i32
      %add3A_211 = arith.addi %add3A_209, %add3A_210 : i32
      %dma_start3A_212 = arith.constant 0 : i32
      %dma_start3A_213 = arith.constant 0 : i32
      %dma_start3A_214 = tpu.memref_slice %arg6[%dma_start3A_212, %dma_start3A_213] : memref<200x128xf32, #tpu.memory_space<vmem>> -> memref<128x128xf32, #tpu.memory_space<vmem>>
      %dma_start3A_215 = arith.constant 0 : i32
      %dma_start3A_216 = tpu.memref_slice %arg5[%add3A_211, %dma_start3A_215] : memref<32x200xi32, #tpu.memory_space<vmem>> -> memref<1x128xi32, #tpu.memory_space<vmem>>
      %dma_start3A_217 = tpu.memref_squeeze %dma_start3A_216 : memref<1x128xi32, #tpu.memory_space<vmem>> -> memref<128xi32, #tpu.memory_space<vmem>>
      %dma_start3A_218 = arith.constant 0 : i32
      %dma_start3A_219 = arith.constant 0 : i32
      %dma_start3A_220 = tpu.memref_slice %arg2[%dma_start3A_218, %dma_start3A_219] : memref<100002x128xf32, #tpu.memory_space<hbm>> -> memref<100002x128xf32, #tpu.memory_space<hbm>>
      tpu.enqueue_indirect_dma source(%dma_start3A_220 : memref<100002x128xf32, #tpu.memory_space<hbm>>) target(%dma_start3A_214 : memref<128x128xf32, #tpu.memory_space<vmem>>) offsets(%dma_start3A_217 : memref<128xi32, #tpu.memory_space<vmem>>) semaphore(%arg10 : memref<!tpu.dma_semaphore, #tpu.memory_space<semaphore_mem>>)
      %add3A_221 = arith.constant 0 : i32
      %add3A_222 = arith.addi %mul3A_180, %add3A_221 : i32
      %add3A_223 = arith.constant 4 : i32
      %add3A_224 = arith.addi %add3A_222, %add3A_223 : i32
      %dma_start3A_225 = arith.constant 128 : i32
      %dma_start3A_226 = arith.constant 0 : i32
      %dma_start3A_227 = tpu.memref_slice %arg6[%dma_start3A_225, %dma_start3A_226] : memref<200x128xf32, #tpu.memory_space<vmem>> -> memref<72x128xf32, #tpu.memory_space<vmem>>
      %dma_start3A_228 = arith.constant 128 : i32
      %dma_start3A_229 = tpu.memref_slice %arg5[%add3A_224, %dma_start3A_228] : memref<32x200xi32, #tpu.memory_space<vmem>> -> memref<1x72xi32, #tpu.memory_space<vmem>>
      %dma_start3A_230 = tpu.memref_squeeze %dma_start3A_229 : memref<1x72xi32, #tpu.memory_space<vmem>> -> memref<72xi32, #tpu.memory_space<vmem>>
      %dma_start3A_231 = arith.constant 0 : i32
      %dma_start3A_232 = arith.constant 0 : i32
      %dma_start3A_233 = tpu.memref_slice %arg2[%dma_start3A_231, %dma_start3A_232] : memref<100002x128xf32, #tpu.memory_space<hbm>> -> memref<100002x128xf32, #tpu.memory_space<hbm>>
      tpu.enqueue_indirect_dma source(%dma_start3A_233 : memref<100002x128xf32, #tpu.memory_space<hbm>>) target(%dma_start3A_227 : memref<72x128xf32, #tpu.memory_space<vmem>>) offsets(%dma_start3A_230 : memref<72xi32, #tpu.memory_space<vmem>>) semaphore(%arg10 : memref<!tpu.dma_semaphore, #tpu.memory_space<semaphore_mem>>)
      %add3A_234 = arith.constant 1 : i32
      %add3A_235 = arith.addi %mul3A_180, %add3A_234 : i32
      %dma_wait3A_236 = arith.constant 0 : i32
      %dma_wait3A_237 = arith.constant 0 : i32
      %dma_wait3A_238 = tpu.memref_slice %arg7[%dma_wait3A_236, %dma_wait3A_237] : memref<200x128xf32, #tpu.memory_space<vmem>> -> memref<128x128xf32, #tpu.memory_space<vmem>>
      %dma_wait3A_239 = arith.constant 0 : i32
      %dma_wait3A_240 = tpu.memref_slice %arg5[%add3A_235, %dma_wait3A_239] : memref<32x200xi32, #tpu.memory_space<vmem>> -> memref<1x128xi32, #tpu.memory_space<vmem>>
      %dma_wait3A_241 = tpu.memref_squeeze %dma_wait3A_240 : memref<1x128xi32, #tpu.memory_space<vmem>> -> memref<128xi32, #tpu.memory_space<vmem>>
      %dma_wait3A_242 = arith.constant 0 : i32
      %dma_wait3A_243 = arith.constant 0 : i32
      %dma_wait3A_244 = tpu.memref_slice %arg2[%dma_wait3A_242, %dma_wait3A_243] : memref<100002x128xf32, #tpu.memory_space<hbm>> -> memref<100002x128xf32, #tpu.memory_space<hbm>>
      tpu.wait_indirect_dma semaphore(%arg11 : memref<!tpu.dma_semaphore, #tpu.memory_space<semaphore_mem>>) src(%dma_wait3A_244 : memref<100002x128xf32, #tpu.memory_space<hbm>>) dst(%dma_wait3A_238 : memref<128x128xf32, #tpu.memory_space<vmem>>)
      %add3A_245 = arith.constant 1 : i32
      %add3A_246 = arith.addi %mul3A_180, %add3A_245 : i32
      %dma_wait3A_247 = arith.constant 128 : i32
      %dma_wait3A_248 = arith.constant 0 : i32
      %dma_wait3A_249 = tpu.memref_slice %arg7[%dma_wait3A_247, %dma_wait3A_248] : memref<200x128xf32, #tpu.memory_space<vmem>> -> memref<72x128xf32, #tpu.memory_space<vmem>>
      %dma_wait3A_250 = arith.constant 128 : i32
      %dma_wait3A_251 = tpu.memref_slice %arg5[%add3A_246, %dma_wait3A_250] : memref<32x200xi32, #tpu.memory_space<vmem>> -> memref<1x72xi32, #tpu.memory_space<vmem>>
      %dma_wait3A_252 = tpu.memref_squeeze %dma_wait3A_251 : memref<1x72xi32, #tpu.memory_space<vmem>> -> memref<72xi32, #tpu.memory_space<vmem>>
      %dma_wait3A_253 = arith.constant 0 : i32
      %dma_wait3A_254 = arith.constant 0 : i32
      %dma_wait3A_255 = tpu.memref_slice %arg2[%dma_wait3A_253, %dma_wait3A_254] : memref<100002x128xf32, #tpu.memory_space<hbm>> -> memref<100002x128xf32, #tpu.memory_space<hbm>>
      tpu.wait_indirect_dma semaphore(%arg11 : memref<!tpu.dma_semaphore, #tpu.memory_space<semaphore_mem>>) src(%dma_wait3A_255 : memref<100002x128xf32, #tpu.memory_space<hbm>>) dst(%dma_wait3A_249 : memref<72x128xf32, #tpu.memory_space<vmem>>)
      %add3A_256 = arith.constant 1 : i32
      %add3A_257 = arith.addi %mul3A_180, %add3A_256 : i32
      %mul3A_258 = arith.constant 200 : i32
      %mul3A_259 = arith.muli %add3A_257, %mul3A_258 : i32
      %add3A_260 = arith.addi %mul3A_6, %mul3A_259 : i32
      "tpu.region"() ({
        %run_scoped3A = tpu.sem_alloc : memref<!tpu.dma_semaphore, #tpu.memory_space<semaphore_mem>>
        %dma_start3A_393 = arith.constant 0 : i32
        %dma_start3A_394 = tpu.memref_slice %arg4[%add3A_260, %dma_start3A_393] : memref<204800x128xf32, #tpu.memory_space<hbm>> -> memref<200x128xf32, #tpu.memory_space<hbm>>
        %dma_start3A_395 = arith.constant 0 : i32
        %dma_start3A_396 = tpu.memref_slice %arg4[%add3A_260, %dma_start3A_395] : memref<204800x128xf32, #tpu.memory_space<hbm>> -> memref<200x128xf32, #tpu.memory_space<hbm>>
        tpu.enqueue_dma source(%arg7 : memref<200x128xf32, #tpu.memory_space<vmem>>) target(%dma_start3A_396 : memref<200x128xf32, #tpu.memory_space<hbm>>) target_semaphore(%run_scoped3A : memref<!tpu.dma_semaphore, #tpu.memory_space<semaphore_mem>>)
        %dma_wait3A_397 = arith.constant 0 : i32
        %dma_wait3A_398 = tpu.memref_slice %arg4[%add3A_260, %dma_wait3A_397] : memref<204800x128xf32, #tpu.memory_space<hbm>> -> memref<200x128xf32, #tpu.memory_space<hbm>>
        %dma_wait3A_399 = arith.constant 0 : i32
        %dma_wait3A_400 = tpu.memref_slice %arg4[%add3A_260, %dma_wait3A_399] : memref<204800x128xf32, #tpu.memory_space<hbm>> -> memref<200x128xf32, #tpu.memory_space<hbm>>
        tpu.wait_dma2 semaphore(%run_scoped3A : memref<!tpu.dma_semaphore, #tpu.memory_space<semaphore_mem>>) src(%arg7 : memref<200x128xf32, #tpu.memory_space<vmem>>) dst(%dma_wait3A_400 : memref<200x128xf32, #tpu.memory_space<hbm>>)
        tpu.yield
      }) : () -> ()
      %add3A_261 = arith.constant 1 : i32
      %add3A_262 = arith.addi %mul3A_180, %add3A_261 : i32
      %add3A_263 = arith.constant 4 : i32
      %add3A_264 = arith.addi %add3A_262, %add3A_263 : i32
      %dma_start3A_265 = arith.constant 0 : i32
      %dma_start3A_266 = arith.constant 0 : i32
      %dma_start3A_267 = tpu.memref_slice %arg7[%dma_start3A_265, %dma_start3A_266] : memref<200x128xf32, #tpu.memory_space<vmem>> -> memref<128x128xf32, #tpu.memory_space<vmem>>
      %dma_start3A_268 = arith.constant 0 : i32
      %dma_start3A_269 = tpu.memref_slice %arg5[%add3A_264, %dma_start3A_268] : memref<32x200xi32, #tpu.memory_space<vmem>> -> memref<1x128xi32, #tpu.memory_space<vmem>>
      %dma_start3A_270 = tpu.memref_squeeze %dma_start3A_269 : memref<1x128xi32, #tpu.memory_space<vmem>> -> memref<128xi32, #tpu.memory_space<vmem>>
      %dma_start3A_271 = arith.constant 0 : i32
      %dma_start3A_272 = arith.constant 0 : i32
      %dma_start3A_273 = tpu.memref_slice %arg2[%dma_start3A_271, %dma_start3A_272] : memref<100002x128xf32, #tpu.memory_space<hbm>> -> memref<100002x128xf32, #tpu.memory_space<hbm>>
      tpu.enqueue_indirect_dma source(%dma_start3A_273 : memref<100002x128xf32, #tpu.memory_space<hbm>>) target(%dma_start3A_267 : memref<128x128xf32, #tpu.memory_space<vmem>>) offsets(%dma_start3A_270 : memref<128xi32, #tpu.memory_space<vmem>>) semaphore(%arg11 : memref<!tpu.dma_semaphore, #tpu.memory_space<semaphore_mem>>)
      %add3A_274 = arith.constant 1 : i32
      %add3A_275 = arith.addi %mul3A_180, %add3A_274 : i32
      %add3A_276 = arith.constant 4 : i32
      %add3A_277 = arith.addi %add3A_275, %add3A_276 : i32
      %dma_start3A_278 = arith.constant 128 : i32
      %dma_start3A_279 = arith.constant 0 : i32
      %dma_start3A_280 = tpu.memref_slice %arg7[%dma_start3A_278, %dma_start3A_279] : memref<200x128xf32, #tpu.memory_space<vmem>> -> memref<72x128xf32, #tpu.memory_space<vmem>>
      %dma_start3A_281 = arith.constant 128 : i32
      %dma_start3A_282 = tpu.memref_slice %arg5[%add3A_277, %dma_start3A_281] : memref<32x200xi32, #tpu.memory_space<vmem>> -> memref<1x72xi32, #tpu.memory_space<vmem>>
      %dma_start3A_283 = tpu.memref_squeeze %dma_start3A_282 : memref<1x72xi32, #tpu.memory_space<vmem>> -> memref<72xi32, #tpu.memory_space<vmem>>
      %dma_start3A_284 = arith.constant 0 : i32
      %dma_start3A_285 = arith.constant 0 : i32
      %dma_start3A_286 = tpu.memref_slice %arg2[%dma_start3A_284, %dma_start3A_285] : memref<100002x128xf32, #tpu.memory_space<hbm>> -> memref<100002x128xf32, #tpu.memory_space<hbm>>
      tpu.enqueue_indirect_dma source(%dma_start3A_286 : memref<100002x128xf32, #tpu.memory_space<hbm>>) target(%dma_start3A_280 : memref<72x128xf32, #tpu.memory_space<vmem>>) offsets(%dma_start3A_283 : memref<72xi32, #tpu.memory_space<vmem>>) semaphore(%arg11 : memref<!tpu.dma_semaphore, #tpu.memory_space<semaphore_mem>>)
      %add3A_287 = arith.constant 2 : i32
      %add3A_288 = arith.addi %mul3A_180, %add3A_287 : i32
      %dma_wait3A_289 = arith.constant 0 : i32
      %dma_wait3A_290 = arith.constant 0 : i32
      %dma_wait3A_291 = tpu.memref_slice %arg8[%dma_wait3A_289, %dma_wait3A_290] : memref<200x128xf32, #tpu.memory_space<vmem>> -> memref<128x128xf32, #tpu.memory_space<vmem>>
      %dma_wait3A_292 = arith.constant 0 : i32
      %dma_wait3A_293 = tpu.memref_slice %arg5[%add3A_288, %dma_wait3A_292] : memref<32x200xi32, #tpu.memory_space<vmem>> -> memref<1x128xi32, #tpu.memory_space<vmem>>
      %dma_wait3A_294 = tpu.memref_squeeze %dma_wait3A_293 : memref<1x128xi32, #tpu.memory_space<vmem>> -> memref<128xi32, #tpu.memory_space<vmem>>
      %dma_wait3A_295 = arith.constant 0 : i32
      %dma_wait3A_296 = arith.constant 0 : i32
      %dma_wait3A_297 = tpu.memref_slice %arg2[%dma_wait3A_295, %dma_wait3A_296] : memref<100002x128xf32, #tpu.memory_space<hbm>> -> memref<100002x128xf32, #tpu.memory_space<hbm>>
      tpu.wait_indirect_dma semaphore(%arg12 : memref<!tpu.dma_semaphore, #tpu.memory_space<semaphore_mem>>) src(%dma_wait3A_297 : memref<100002x128xf32, #tpu.memory_space<hbm>>) dst(%dma_wait3A_291 : memref<128x128xf32, #tpu.memory_space<vmem>>)
      %add3A_298 = arith.constant 2 : i32
      %add3A_299 = arith.addi %mul3A_180, %add3A_298 : i32
      %dma_wait3A_300 = arith.constant 128 : i32
      %dma_wait3A_301 = arith.constant 0 : i32
      %dma_wait3A_302 = tpu.memref_slice %arg8[%dma_wait3A_300, %dma_wait3A_301] : memref<200x128xf32, #tpu.memory_space<vmem>> -> memref<72x128xf32, #tpu.memory_space<vmem>>
      %dma_wait3A_303 = arith.constant 128 : i32
      %dma_wait3A_304 = tpu.memref_slice %arg5[%add3A_299, %dma_wait3A_303] : memref<32x200xi32, #tpu.memory_space<vmem>> -> memref<1x72xi32, #tpu.memory_space<vmem>>
      %dma_wait3A_305 = tpu.memref_squeeze %dma_wait3A_304 : memref<1x72xi32, #tpu.memory_space<vmem>> -> memref<72xi32, #tpu.memory_space<vmem>>
      %dma_wait3A_306 = arith.constant 0 : i32
      %dma_wait3A_307 = arith.constant 0 : i32
      %dma_wait3A_308 = tpu.memref_slice %arg2[%dma_wait3A_306, %dma_wait3A_307] : memref<100002x128xf32, #tpu.memory_space<hbm>> -> memref<100002x128xf32, #tpu.memory_space<hbm>>
      tpu.wait_indirect_dma semaphore(%arg12 : memref<!tpu.dma_semaphore, #tpu.memory_space<semaphore_mem>>) src(%dma_wait3A_308 : memref<100002x128xf32, #tpu.memory_space<hbm>>) dst(%dma_wait3A_302 : memref<72x128xf32, #tpu.memory_space<vmem>>)
      %add3A_309 = arith.constant 2 : i32
      %add3A_310 = arith.addi %mul3A_180, %add3A_309 : i32
      %mul3A_311 = arith.constant 200 : i32
      %mul3A_312 = arith.muli %add3A_310, %mul3A_311 : i32
      %add3A_313 = arith.addi %mul3A_6, %mul3A_312 : i32
      "tpu.region"() ({
        %run_scoped3A = tpu.sem_alloc : memref<!tpu.dma_semaphore, #tpu.memory_space<semaphore_mem>>
        %dma_start3A_393 = arith.constant 0 : i32
        %dma_start3A_394 = tpu.memref_slice %arg4[%add3A_313, %dma_start3A_393] : memref<204800x128xf32, #tpu.memory_space<hbm>> -> memref<200x128xf32, #tpu.memory_space<hbm>>
        %dma_start3A_395 = arith.constant 0 : i32
        %dma_start3A_396 = tpu.memref_slice %arg4[%add3A_313, %dma_start3A_395] : memref<204800x128xf32, #tpu.memory_space<hbm>> -> memref<200x128xf32, #tpu.memory_space<hbm>>
        tpu.enqueue_dma source(%arg8 : memref<200x128xf32, #tpu.memory_space<vmem>>) target(%dma_start3A_396 : memref<200x128xf32, #tpu.memory_space<hbm>>) target_semaphore(%run_scoped3A : memref<!tpu.dma_semaphore, #tpu.memory_space<semaphore_mem>>)
        %dma_wait3A_397 = arith.constant 0 : i32
        %dma_wait3A_398 = tpu.memref_slice %arg4[%add3A_313, %dma_wait3A_397] : memref<204800x128xf32, #tpu.memory_space<hbm>> -> memref<200x128xf32, #tpu.memory_space<hbm>>
        %dma_wait3A_399 = arith.constant 0 : i32
        %dma_wait3A_400 = tpu.memref_slice %arg4[%add3A_313, %dma_wait3A_399] : memref<204800x128xf32, #tpu.memory_space<hbm>> -> memref<200x128xf32, #tpu.memory_space<hbm>>
        tpu.wait_dma2 semaphore(%run_scoped3A : memref<!tpu.dma_semaphore, #tpu.memory_space<semaphore_mem>>) src(%arg8 : memref<200x128xf32, #tpu.memory_space<vmem>>) dst(%dma_wait3A_400 : memref<200x128xf32, #tpu.memory_space<hbm>>)
        tpu.yield
      }) : () -> ()
      %add3A_314 = arith.constant 2 : i32
      %add3A_315 = arith.addi %mul3A_180, %add3A_314 : i32
      %add3A_316 = arith.constant 4 : i32
      %add3A_317 = arith.addi %add3A_315, %add3A_316 : i32
      %dma_start3A_318 = arith.constant 0 : i32
      %dma_start3A_319 = arith.constant 0 : i32
      %dma_start3A_320 = tpu.memref_slice %arg8[%dma_start3A_318, %dma_start3A_319] : memref<200x128xf32, #tpu.memory_space<vmem>> -> memref<128x128xf32, #tpu.memory_space<vmem>>
      %dma_start3A_321 = arith.constant 0 : i32
      %dma_start3A_322 = tpu.memref_slice %arg5[%add3A_317, %dma_start3A_321] : memref<32x200xi32, #tpu.memory_space<vmem>> -> memref<1x128xi32, #tpu.memory_space<vmem>>
      %dma_start3A_323 = tpu.memref_squeeze %dma_start3A_322 : memref<1x128xi32, #tpu.memory_space<vmem>> -> memref<128xi32, #tpu.memory_space<vmem>>
      %dma_start3A_324 = arith.constant 0 : i32
      %dma_start3A_325 = arith.constant 0 : i32
      %dma_start3A_326 = tpu.memref_slice %arg2[%dma_start3A_324, %dma_start3A_325] : memref<100002x128xf32, #tpu.memory_space<hbm>> -> memref<100002x128xf32, #tpu.memory_space<hbm>>
      tpu.enqueue_indirect_dma source(%dma_start3A_326 : memref<100002x128xf32, #tpu.memory_space<hbm>>) target(%dma_start3A_320 : memref<128x128xf32, #tpu.memory_space<vmem>>) offsets(%dma_start3A_323 : memref<128xi32, #tpu.memory_space<vmem>>) semaphore(%arg12 : memref<!tpu.dma_semaphore, #tpu.memory_space<semaphore_mem>>)
      %add3A_327 = arith.constant 2 : i32
      %add3A_328 = arith.addi %mul3A_180, %add3A_327 : i32
      %add3A_329 = arith.constant 4 : i32
      %add3A_330 = arith.addi %add3A_328, %add3A_329 : i32
      %dma_start3A_331 = arith.constant 128 : i32
      %dma_start3A_332 = arith.constant 0 : i32
      %dma_start3A_333 = tpu.memref_slice %arg8[%dma_start3A_331, %dma_start3A_332] : memref<200x128xf32, #tpu.memory_space<vmem>> -> memref<72x128xf32, #tpu.memory_space<vmem>>
      %dma_start3A_334 = arith.constant 128 : i32
      %dma_start3A_335 = tpu.memref_slice %arg5[%add3A_330, %dma_start3A_334] : memref<32x200xi32, #tpu.memory_space<vmem>> -> memref<1x72xi32, #tpu.memory_space<vmem>>
      %dma_start3A_336 = tpu.memref_squeeze %dma_start3A_335 : memref<1x72xi32, #tpu.memory_space<vmem>> -> memref<72xi32, #tpu.memory_space<vmem>>
      %dma_start3A_337 = arith.constant 0 : i32
      %dma_start3A_338 = arith.constant 0 : i32
      %dma_start3A_339 = tpu.memref_slice %arg2[%dma_start3A_337, %dma_start3A_338] : memref<100002x128xf32, #tpu.memory_space<hbm>> -> memref<100002x128xf32, #tpu.memory_space<hbm>>
      tpu.enqueue_indirect_dma source(%dma_start3A_339 : memref<100002x128xf32, #tpu.memory_space<hbm>>) target(%dma_start3A_333 : memref<72x128xf32, #tpu.memory_space<vmem>>) offsets(%dma_start3A_336 : memref<72xi32, #tpu.memory_space<vmem>>) semaphore(%arg12 : memref<!tpu.dma_semaphore, #tpu.memory_space<semaphore_mem>>)
      %add3A_340 = arith.constant 3 : i32
      %add3A_341 = arith.addi %mul3A_180, %add3A_340 : i32
      %dma_wait3A_342 = arith.constant 0 : i32
      %dma_wait3A_343 = arith.constant 0 : i32
      %dma_wait3A_344 = tpu.memref_slice %arg9[%dma_wait3A_342, %dma_wait3A_343] : memref<200x128xf32, #tpu.memory_space<vmem>> -> memref<128x128xf32, #tpu.memory_space<vmem>>
      %dma_wait3A_345 = arith.constant 0 : i32
      %dma_wait3A_346 = tpu.memref_slice %arg5[%add3A_341, %dma_wait3A_345] : memref<32x200xi32, #tpu.memory_space<vmem>> -> memref<1x128xi32, #tpu.memory_space<vmem>>
      %dma_wait3A_347 = tpu.memref_squeeze %dma_wait3A_346 : memref<1x128xi32, #tpu.memory_space<vmem>> -> memref<128xi32, #tpu.memory_space<vmem>>
      %dma_wait3A_348 = arith.constant 0 : i32
      %dma_wait3A_349 = arith.constant 0 : i32
      %dma_wait3A_350 = tpu.memref_slice %arg2[%dma_wait3A_348, %dma_wait3A_349] : memref<100002x128xf32, #tpu.memory_space<hbm>> -> memref<100002x128xf32, #tpu.memory_space<hbm>>
      tpu.wait_indirect_dma semaphore(%arg13 : memref<!tpu.dma_semaphore, #tpu.memory_space<semaphore_mem>>) src(%dma_wait3A_350 : memref<100002x128xf32, #tpu.memory_space<hbm>>) dst(%dma_wait3A_344 : memref<128x128xf32, #tpu.memory_space<vmem>>)
      %add3A_351 = arith.constant 3 : i32
      %add3A_352 = arith.addi %mul3A_180, %add3A_351 : i32
      %dma_wait3A_353 = arith.constant 128 : i32
      %dma_wait3A_354 = arith.constant 0 : i32
      %dma_wait3A_355 = tpu.memref_slice %arg9[%dma_wait3A_353, %dma_wait3A_354] : memref<200x128xf32, #tpu.memory_space<vmem>> -> memref<72x128xf32, #tpu.memory_space<vmem>>
      %dma_wait3A_356 = arith.constant 128 : i32
      %dma_wait3A_357 = tpu.memref_slice %arg5[%add3A_352, %dma_wait3A_356] : memref<32x200xi32, #tpu.memory_space<vmem>> -> memref<1x72xi32, #tpu.memory_space<vmem>>
      %dma_wait3A_358 = tpu.memref_squeeze %dma_wait3A_357 : memref<1x72xi32, #tpu.memory_space<vmem>> -> memref<72xi32, #tpu.memory_space<vmem>>
      %dma_wait3A_359 = arith.constant 0 : i32
      %dma_wait3A_360 = arith.constant 0 : i32
      %dma_wait3A_361 = tpu.memref_slice %arg2[%dma_wait3A_359, %dma_wait3A_360] : memref<100002x128xf32, #tpu.memory_space<hbm>> -> memref<100002x128xf32, #tpu.memory_space<hbm>>
      tpu.wait_indirect_dma semaphore(%arg13 : memref<!tpu.dma_semaphore, #tpu.memory_space<semaphore_mem>>) src(%dma_wait3A_361 : memref<100002x128xf32, #tpu.memory_space<hbm>>) dst(%dma_wait3A_355 : memref<72x128xf32, #tpu.memory_space<vmem>>)
      %add3A_362 = arith.constant 3 : i32
      %add3A_363 = arith.addi %mul3A_180, %add3A_362 : i32
      %mul3A_364 = arith.constant 200 : i32
      %mul3A_365 = arith.muli %add3A_363, %mul3A_364 : i32
      %add3A_366 = arith.addi %mul3A_6, %mul3A_365 : i32
      "tpu.region"() ({
        %run_scoped3A = tpu.sem_alloc : memref<!tpu.dma_semaphore, #tpu.memory_space<semaphore_mem>>
        %dma_start3A_393 = arith.constant 0 : i32
        %dma_start3A_394 = tpu.memref_slice %arg4[%add3A_366, %dma_start3A_393] : memref<204800x128xf32, #tpu.memory_space<hbm>> -> memref<200x128xf32, #tpu.memory_space<hbm>>
        %dma_start3A_395 = arith.constant 0 : i32
        %dma_start3A_396 = tpu.memref_slice %arg4[%add3A_366, %dma_start3A_395] : memref<204800x128xf32, #tpu.memory_space<hbm>> -> memref<200x128xf32, #tpu.memory_space<hbm>>
        tpu.enqueue_dma source(%arg9 : memref<200x128xf32, #tpu.memory_space<vmem>>) target(%dma_start3A_396 : memref<200x128xf32, #tpu.memory_space<hbm>>) target_semaphore(%run_scoped3A : memref<!tpu.dma_semaphore, #tpu.memory_space<semaphore_mem>>)
        %dma_wait3A_397 = arith.constant 0 : i32
        %dma_wait3A_398 = tpu.memref_slice %arg4[%add3A_366, %dma_wait3A_397] : memref<204800x128xf32, #tpu.memory_space<hbm>> -> memref<200x128xf32, #tpu.memory_space<hbm>>
        %dma_wait3A_399 = arith.constant 0 : i32
        %dma_wait3A_400 = tpu.memref_slice %arg4[%add3A_366, %dma_wait3A_399] : memref<204800x128xf32, #tpu.memory_space<hbm>> -> memref<200x128xf32, #tpu.memory_space<hbm>>
        tpu.wait_dma2 semaphore(%run_scoped3A : memref<!tpu.dma_semaphore, #tpu.memory_space<semaphore_mem>>) src(%arg9 : memref<200x128xf32, #tpu.memory_space<vmem>>) dst(%dma_wait3A_400 : memref<200x128xf32, #tpu.memory_space<hbm>>)
        tpu.yield
      }) : () -> ()
      %add3A_367 = arith.constant 3 : i32
      %add3A_368 = arith.addi %mul3A_180, %add3A_367 : i32
      %add3A_369 = arith.constant 4 : i32
      %add3A_370 = arith.addi %add3A_368, %add3A_369 : i32
      %dma_start3A_371 = arith.constant 0 : i32
      %dma_start3A_372 = arith.constant 0 : i32
      %dma_start3A_373 = tpu.memref_slice %arg9[%dma_start3A_371, %dma_start3A_372] : memref<200x128xf32, #tpu.memory_space<vmem>> -> memref<128x128xf32, #tpu.memory_space<vmem>>
      %dma_start3A_374 = arith.constant 0 : i32
      %dma_start3A_375 = tpu.memref_slice %arg5[%add3A_370, %dma_start3A_374] : memref<32x200xi32, #tpu.memory_space<vmem>> -> memref<1x128xi32, #tpu.memory_space<vmem>>
      %dma_start3A_376 = tpu.memref_squeeze %dma_start3A_375 : memref<1x128xi32, #tpu.memory_space<vmem>> -> memref<128xi32, #tpu.memory_space<vmem>>
      %dma_start3A_377 = arith.constant 0 : i32
      %dma_start3A_378 = arith.constant 0 : i32
      %dma_start3A_379 = tpu.memref_slice %arg2[%dma_start3A_377, %dma_start3A_378] : memref<100002x128xf32, #tpu.memory_space<hbm>> -> memref<100002x128xf32, #tpu.memory_space<hbm>>
      tpu.enqueue_indirect_dma source(%dma_start3A_379 : memref<100002x128xf32, #tpu.memory_space<hbm>>) target(%dma_start3A_373 : memref<128x128xf32, #tpu.memory_space<vmem>>) offsets(%dma_start3A_376 : memref<128xi32, #tpu.memory_space<vmem>>) semaphore(%arg13 : memref<!tpu.dma_semaphore, #tpu.memory_space<semaphore_mem>>)
      %add3A_380 = arith.constant 3 : i32
      %add3A_381 = arith.addi %mul3A_180, %add3A_380 : i32
      %add3A_382 = arith.constant 4 : i32
      %add3A_383 = arith.addi %add3A_381, %add3A_382 : i32
      %dma_start3A_384 = arith.constant 128 : i32
      %dma_start3A_385 = arith.constant 0 : i32
      %dma_start3A_386 = tpu.memref_slice %arg9[%dma_start3A_384, %dma_start3A_385] : memref<200x128xf32, #tpu.memory_space<vmem>> -> memref<72x128xf32, #tpu.memory_space<vmem>>
      %dma_start3A_387 = arith.constant 128 : i32
      %dma_start3A_388 = tpu.memref_slice %arg5[%add3A_383, %dma_start3A_387] : memref<32x200xi32, #tpu.memory_space<vmem>> -> memref<1x72xi32, #tpu.memory_space<vmem>>
      %dma_start3A_389 = tpu.memref_squeeze %dma_start3A_388 : memref<1x72xi32, #tpu.memory_space<vmem>> -> memref<72xi32, #tpu.memory_space<vmem>>
      %dma_start3A_390 = arith.constant 0 : i32
      %dma_start3A_391 = arith.constant 0 : i32
      %dma_start3A_392 = tpu.memref_slice %arg2[%dma_start3A_390, %dma_start3A_391] : memref<100002x128xf32, #tpu.memory_space<hbm>> -> memref<100002x128xf32, #tpu.memory_space<hbm>>
      tpu.enqueue_indirect_dma source(%dma_start3A_392 : memref<100002x128xf32, #tpu.memory_space<hbm>>) target(%dma_start3A_386 : memref<72x128xf32, #tpu.memory_space<vmem>>) offsets(%dma_start3A_389 : memref<72xi32, #tpu.memory_space<vmem>>) semaphore(%arg13 : memref<!tpu.dma_semaphore, #tpu.memory_space<semaphore_mem>>)
    }
    %scan3A_90 = arith.constant 7 : i32
    %dma_wait3A = arith.constant 28 : i32
    %dma_wait3A_91 = arith.constant 0 : i32
    %dma_wait3A_92 = arith.constant 0 : i32
    %dma_wait3A_93 = tpu.memref_slice %arg6[%dma_wait3A_91, %dma_wait3A_92] : memref<200x128xf32, #tpu.memory_space<vmem>> -> memref<128x128xf32, #tpu.memory_space<vmem>>
    %dma_wait3A_94 = arith.constant 0 : i32
    %dma_wait3A_95 = tpu.memref_slice %arg5[%dma_wait3A, %dma_wait3A_94] : memref<32x200xi32, #tpu.memory_space<vmem>> -> memref<1x128xi32, #tpu.memory_space<vmem>>
    %dma_wait3A_96 = tpu.memref_squeeze %dma_wait3A_95 : memref<1x128xi32, #tpu.memory_space<vmem>> -> memref<128xi32, #tpu.memory_space<vmem>>
    %dma_wait3A_97 = arith.constant 0 : i32
    %dma_wait3A_98 = arith.constant 0 : i32
    %dma_wait3A_99 = tpu.memref_slice %arg2[%dma_wait3A_97, %dma_wait3A_98] : memref<100002x128xf32, #tpu.memory_space<hbm>> -> memref<100002x128xf32, #tpu.memory_space<hbm>>
    tpu.wait_indirect_dma semaphore(%arg10 : memref<!tpu.dma_semaphore, #tpu.memory_space<semaphore_mem>>) src(%dma_wait3A_99 : memref<100002x128xf32, #tpu.memory_space<hbm>>) dst(%dma_wait3A_93 : memref<128x128xf32, #tpu.memory_space<vmem>>)
    %dma_wait3A_100 = arith.constant 28 : i32
    %dma_wait3A_101 = arith.constant 128 : i32
    %dma_wait3A_102 = arith.constant 0 : i32
    %dma_wait3A_103 = tpu.memref_slice %arg6[%dma_wait3A_101, %dma_wait3A_102] : memref<200x128xf32, #tpu.memory_space<vmem>> -> memref<72x128xf32, #tpu.memory_space<vmem>>
    %dma_wait3A_104 = arith.constant 128 : i32
    %dma_wait3A_105 = tpu.memref_slice %arg5[%dma_wait3A_100, %dma_wait3A_104] : memref<32x200xi32, #tpu.memory_space<vmem>> -> memref<1x72xi32, #tpu.memory_space<vmem>>
    %dma_wait3A_106 = tpu.memref_squeeze %dma_wait3A_105 : memref<1x72xi32, #tpu.memory_space<vmem>> -> memref<72xi32, #tpu.memory_space<vmem>>
    %dma_wait3A_107 = arith.constant 0 : i32
    %dma_wait3A_108 = arith.constant 0 : i32
    %dma_wait3A_109 = tpu.memref_slice %arg2[%dma_wait3A_107, %dma_wait3A_108] : memref<100002x128xf32, #tpu.memory_space<hbm>> -> memref<100002x128xf32, #tpu.memory_space<hbm>>
    tpu.wait_indirect_dma semaphore(%arg10 : memref<!tpu.dma_semaphore, #tpu.memory_space<semaphore_mem>>) src(%dma_wait3A_109 : memref<100002x128xf32, #tpu.memory_space<hbm>>) dst(%dma_wait3A_103 : memref<72x128xf32, #tpu.memory_space<vmem>>)
    %add3A_110 = arith.constant 5600 : i32
    %add3A_111 = arith.addi %mul3A_6, %add3A_110 : i32
    "tpu.region"() ({
      %run_scoped3A = tpu.sem_alloc : memref<!tpu.dma_semaphore, #tpu.memory_space<semaphore_mem>>
      %dma_start3A_178 = arith.constant 0 : i32
      %dma_start3A_179 = tpu.memref_slice %arg4[%add3A_111, %dma_start3A_178] : memref<204800x128xf32, #tpu.memory_space<hbm>> -> memref<200x128xf32, #tpu.memory_space<hbm>>
      %dma_start3A_180 = arith.constant 0 : i32
      %dma_start3A_181 = tpu.memref_slice %arg4[%add3A_111, %dma_start3A_180] : memref<204800x128xf32, #tpu.memory_space<hbm>> -> memref<200x128xf32, #tpu.memory_space<hbm>>
      tpu.enqueue_dma source(%arg6 : memref<200x128xf32, #tpu.memory_space<vmem>>) target(%dma_start3A_181 : memref<200x128xf32, #tpu.memory_space<hbm>>) target_semaphore(%run_scoped3A : memref<!tpu.dma_semaphore, #tpu.memory_space<semaphore_mem>>)
      %dma_wait3A_182 = arith.constant 0 : i32
      %dma_wait3A_183 = tpu.memref_slice %arg4[%add3A_111, %dma_wait3A_182] : memref<204800x128xf32, #tpu.memory_space<hbm>> -> memref<200x128xf32, #tpu.memory_space<hbm>>
      %dma_wait3A_184 = arith.constant 0 : i32
      %dma_wait3A_185 = tpu.memref_slice %arg4[%add3A_111, %dma_wait3A_184] : memref<204800x128xf32, #tpu.memory_space<hbm>> -> memref<200x128xf32, #tpu.memory_space<hbm>>
      tpu.wait_dma2 semaphore(%run_scoped3A : memref<!tpu.dma_semaphore, #tpu.memory_space<semaphore_mem>>) src(%arg6 : memref<200x128xf32, #tpu.memory_space<vmem>>) dst(%dma_wait3A_185 : memref<200x128xf32, #tpu.memory_space<hbm>>)
      tpu.yield
    }) : () -> ()
    %dma_wait3A_112 = arith.constant 29 : i32
    %dma_wait3A_113 = arith.constant 0 : i32
    %dma_wait3A_114 = arith.constant 0 : i32
    %dma_wait3A_115 = tpu.memref_slice %arg7[%dma_wait3A_113, %dma_wait3A_114] : memref<200x128xf32, #tpu.memory_space<vmem>> -> memref<128x128xf32, #tpu.memory_space<vmem>>
    %dma_wait3A_116 = arith.constant 0 : i32
    %dma_wait3A_117 = tpu.memref_slice %arg5[%dma_wait3A_112, %dma_wait3A_116] : memref<32x200xi32, #tpu.memory_space<vmem>> -> memref<1x128xi32, #tpu.memory_space<vmem>>
    %dma_wait3A_118 = tpu.memref_squeeze %dma_wait3A_117 : memref<1x128xi32, #tpu.memory_space<vmem>> -> memref<128xi32, #tpu.memory_space<vmem>>
    %dma_wait3A_119 = arith.constant 0 : i32
    %dma_wait3A_120 = arith.constant 0 : i32
    %dma_wait3A_121 = tpu.memref_slice %arg2[%dma_wait3A_119, %dma_wait3A_120] : memref<100002x128xf32, #tpu.memory_space<hbm>> -> memref<100002x128xf32, #tpu.memory_space<hbm>>
    tpu.wait_indirect_dma semaphore(%arg11 : memref<!tpu.dma_semaphore, #tpu.memory_space<semaphore_mem>>) src(%dma_wait3A_121 : memref<100002x128xf32, #tpu.memory_space<hbm>>) dst(%dma_wait3A_115 : memref<128x128xf32, #tpu.memory_space<vmem>>)
    %dma_wait3A_122 = arith.constant 29 : i32
    %dma_wait3A_123 = arith.constant 128 : i32
    %dma_wait3A_124 = arith.constant 0 : i32
    %dma_wait3A_125 = tpu.memref_slice %arg7[%dma_wait3A_123, %dma_wait3A_124] : memref<200x128xf32, #tpu.memory_space<vmem>> -> memref<72x128xf32, #tpu.memory_space<vmem>>
    %dma_wait3A_126 = arith.constant 128 : i32
    %dma_wait3A_127 = tpu.memref_slice %arg5[%dma_wait3A_122, %dma_wait3A_126] : memref<32x200xi32, #tpu.memory_space<vmem>> -> memref<1x72xi32, #tpu.memory_space<vmem>>
    %dma_wait3A_128 = tpu.memref_squeeze %dma_wait3A_127 : memref<1x72xi32, #tpu.memory_space<vmem>> -> memref<72xi32, #tpu.memory_space<vmem>>
    %dma_wait3A_129 = arith.constant 0 : i32
    %dma_wait3A_130 = arith.constant 0 : i32
    %dma_wait3A_131 = tpu.memref_slice %arg2[%dma_wait3A_129, %dma_wait3A_130] : memref<100002x128xf32, #tpu.memory_space<hbm>> -> memref<100002x128xf32, #tpu.memory_space<hbm>>
    tpu.wait_indirect_dma semaphore(%arg11 : memref<!tpu.dma_semaphore, #tpu.memory_space<semaphore_mem>>) src(%dma_wait3A_131 : memref<100002x128xf32, #tpu.memory_space<hbm>>) dst(%dma_wait3A_125 : memref<72x128xf32, #tpu.memory_space<vmem>>)
    %add3A_132 = arith.constant 5800 : i32
    %add3A_133 = arith.addi %mul3A_6, %add3A_132 : i32
    "tpu.region"() ({
      %run_scoped3A = tpu.sem_alloc : memref<!tpu.dma_semaphore, #tpu.memory_space<semaphore_mem>>
      %dma_start3A_178 = arith.constant 0 : i32
      %dma_start3A_179 = tpu.memref_slice %arg4[%add3A_133, %dma_start3A_178] : memref<204800x128xf32, #tpu.memory_space<hbm>> -> memref<200x128xf32, #tpu.memory_space<hbm>>
      %dma_start3A_180 = arith.constant 0 : i32
      %dma_start3A_181 = tpu.memref_slice %arg4[%add3A_133, %dma_start3A_180] : memref<204800x128xf32, #tpu.memory_space<hbm>> -> memref<200x128xf32, #tpu.memory_space<hbm>>
      tpu.enqueue_dma source(%arg7 : memref<200x128xf32, #tpu.memory_space<vmem>>) target(%dma_start3A_181 : memref<200x128xf32, #tpu.memory_space<hbm>>) target_semaphore(%run_scoped3A : memref<!tpu.dma_semaphore, #tpu.memory_space<semaphore_mem>>)
      %dma_wait3A_182 = arith.constant 0 : i32
      %dma_wait3A_183 = tpu.memref_slice %arg4[%add3A_133, %dma_wait3A_182] : memref<204800x128xf32, #tpu.memory_space<hbm>> -> memref<200x128xf32, #tpu.memory_space<hbm>>
      %dma_wait3A_184 = arith.constant 0 : i32
      %dma_wait3A_185 = tpu.memref_slice %arg4[%add3A_133, %dma_wait3A_184] : memref<204800x128xf32, #tpu.memory_space<hbm>> -> memref<200x128xf32, #tpu.memory_space<hbm>>
      tpu.wait_dma2 semaphore(%run_scoped3A : memref<!tpu.dma_semaphore, #tpu.memory_space<semaphore_mem>>) src(%arg7 : memref<200x128xf32, #tpu.memory_space<vmem>>) dst(%dma_wait3A_185 : memref<200x128xf32, #tpu.memory_space<hbm>>)
      tpu.yield
    }) : () -> ()
    %dma_wait3A_134 = arith.constant 30 : i32
    %dma_wait3A_135 = arith.constant 0 : i32
    %dma_wait3A_136 = arith.constant 0 : i32
    %dma_wait3A_137 = tpu.memref_slice %arg8[%dma_wait3A_135, %dma_wait3A_136] : memref<200x128xf32, #tpu.memory_space<vmem>> -> memref<128x128xf32, #tpu.memory_space<vmem>>
    %dma_wait3A_138 = arith.constant 0 : i32
    %dma_wait3A_139 = tpu.memref_slice %arg5[%dma_wait3A_134, %dma_wait3A_138] : memref<32x200xi32, #tpu.memory_space<vmem>> -> memref<1x128xi32, #tpu.memory_space<vmem>>
    %dma_wait3A_140 = tpu.memref_squeeze %dma_wait3A_139 : memref<1x128xi32, #tpu.memory_space<vmem>> -> memref<128xi32, #tpu.memory_space<vmem>>
    %dma_wait3A_141 = arith.constant 0 : i32
    %dma_wait3A_142 = arith.constant 0 : i32
    %dma_wait3A_143 = tpu.memref_slice %arg2[%dma_wait3A_141, %dma_wait3A_142] : memref<100002x128xf32, #tpu.memory_space<hbm>> -> memref<100002x128xf32, #tpu.memory_space<hbm>>
    tpu.wait_indirect_dma semaphore(%arg12 : memref<!tpu.dma_semaphore, #tpu.memory_space<semaphore_mem>>) src(%dma_wait3A_143 : memref<100002x128xf32, #tpu.memory_space<hbm>>) dst(%dma_wait3A_137 : memref<128x128xf32, #tpu.memory_space<vmem>>)
    %dma_wait3A_144 = arith.constant 30 : i32
    %dma_wait3A_145 = arith.constant 128 : i32
    %dma_wait3A_146 = arith.constant 0 : i32
    %dma_wait3A_147 = tpu.memref_slice %arg8[%dma_wait3A_145, %dma_wait3A_146] : memref<200x128xf32, #tpu.memory_space<vmem>> -> memref<72x128xf32, #tpu.memory_space<vmem>>
    %dma_wait3A_148 = arith.constant 128 : i32
    %dma_wait3A_149 = tpu.memref_slice %arg5[%dma_wait3A_144, %dma_wait3A_148] : memref<32x200xi32, #tpu.memory_space<vmem>> -> memref<1x72xi32, #tpu.memory_space<vmem>>
    %dma_wait3A_150 = tpu.memref_squeeze %dma_wait3A_149 : memref<1x72xi32, #tpu.memory_space<vmem>> -> memref<72xi32, #tpu.memory_space<vmem>>
    %dma_wait3A_151 = arith.constant 0 : i32
    %dma_wait3A_152 = arith.constant 0 : i32
    %dma_wait3A_153 = tpu.memref_slice %arg2[%dma_wait3A_151, %dma_wait3A_152] : memref<100002x128xf32, #tpu.memory_space<hbm>> -> memref<100002x128xf32, #tpu.memory_space<hbm>>
    tpu.wait_indirect_dma semaphore(%arg12 : memref<!tpu.dma_semaphore, #tpu.memory_space<semaphore_mem>>) src(%dma_wait3A_153 : memref<100002x128xf32, #tpu.memory_space<hbm>>) dst(%dma_wait3A_147 : memref<72x128xf32, #tpu.memory_space<vmem>>)
    %add3A_154 = arith.constant 6000 : i32
    %add3A_155 = arith.addi %mul3A_6, %add3A_154 : i32
    "tpu.region"() ({
      %run_scoped3A = tpu.sem_alloc : memref<!tpu.dma_semaphore, #tpu.memory_space<semaphore_mem>>
      %dma_start3A_178 = arith.constant 0 : i32
      %dma_start3A_179 = tpu.memref_slice %arg4[%add3A_155, %dma_start3A_178] : memref<204800x128xf32, #tpu.memory_space<hbm>> -> memref<200x128xf32, #tpu.memory_space<hbm>>
      %dma_start3A_180 = arith.constant 0 : i32
      %dma_start3A_181 = tpu.memref_slice %arg4[%add3A_155, %dma_start3A_180] : memref<204800x128xf32, #tpu.memory_space<hbm>> -> memref<200x128xf32, #tpu.memory_space<hbm>>
      tpu.enqueue_dma source(%arg8 : memref<200x128xf32, #tpu.memory_space<vmem>>) target(%dma_start3A_181 : memref<200x128xf32, #tpu.memory_space<hbm>>) target_semaphore(%run_scoped3A : memref<!tpu.dma_semaphore, #tpu.memory_space<semaphore_mem>>)
      %dma_wait3A_182 = arith.constant 0 : i32
      %dma_wait3A_183 = tpu.memref_slice %arg4[%add3A_155, %dma_wait3A_182] : memref<204800x128xf32, #tpu.memory_space<hbm>> -> memref<200x128xf32, #tpu.memory_space<hbm>>
      %dma_wait3A_184 = arith.constant 0 : i32
      %dma_wait3A_185 = tpu.memref_slice %arg4[%add3A_155, %dma_wait3A_184] : memref<204800x128xf32, #tpu.memory_space<hbm>> -> memref<200x128xf32, #tpu.memory_space<hbm>>
      tpu.wait_dma2 semaphore(%run_scoped3A : memref<!tpu.dma_semaphore, #tpu.memory_space<semaphore_mem>>) src(%arg8 : memref<200x128xf32, #tpu.memory_space<vmem>>) dst(%dma_wait3A_185 : memref<200x128xf32, #tpu.memory_space<hbm>>)
      tpu.yield
    }) : () -> ()
    %dma_wait3A_156 = arith.constant 31 : i32
    %dma_wait3A_157 = arith.constant 0 : i32
    %dma_wait3A_158 = arith.constant 0 : i32
    %dma_wait3A_159 = tpu.memref_slice %arg9[%dma_wait3A_157, %dma_wait3A_158] : memref<200x128xf32, #tpu.memory_space<vmem>> -> memref<128x128xf32, #tpu.memory_space<vmem>>
    %dma_wait3A_160 = arith.constant 0 : i32
    %dma_wait3A_161 = tpu.memref_slice %arg5[%dma_wait3A_156, %dma_wait3A_160] : memref<32x200xi32, #tpu.memory_space<vmem>> -> memref<1x128xi32, #tpu.memory_space<vmem>>
    %dma_wait3A_162 = tpu.memref_squeeze %dma_wait3A_161 : memref<1x128xi32, #tpu.memory_space<vmem>> -> memref<128xi32, #tpu.memory_space<vmem>>
    %dma_wait3A_163 = arith.constant 0 : i32
    %dma_wait3A_164 = arith.constant 0 : i32
    %dma_wait3A_165 = tpu.memref_slice %arg2[%dma_wait3A_163, %dma_wait3A_164] : memref<100002x128xf32, #tpu.memory_space<hbm>> -> memref<100002x128xf32, #tpu.memory_space<hbm>>
    tpu.wait_indirect_dma semaphore(%arg13 : memref<!tpu.dma_semaphore, #tpu.memory_space<semaphore_mem>>) src(%dma_wait3A_165 : memref<100002x128xf32, #tpu.memory_space<hbm>>) dst(%dma_wait3A_159 : memref<128x128xf32, #tpu.memory_space<vmem>>)
    %dma_wait3A_166 = arith.constant 31 : i32
    %dma_wait3A_167 = arith.constant 128 : i32
    %dma_wait3A_168 = arith.constant 0 : i32
    %dma_wait3A_169 = tpu.memref_slice %arg9[%dma_wait3A_167, %dma_wait3A_168] : memref<200x128xf32, #tpu.memory_space<vmem>> -> memref<72x128xf32, #tpu.memory_space<vmem>>
    %dma_wait3A_170 = arith.constant 128 : i32
    %dma_wait3A_171 = tpu.memref_slice %arg5[%dma_wait3A_166, %dma_wait3A_170] : memref<32x200xi32, #tpu.memory_space<vmem>> -> memref<1x72xi32, #tpu.memory_space<vmem>>
    %dma_wait3A_172 = tpu.memref_squeeze %dma_wait3A_171 : memref<1x72xi32, #tpu.memory_space<vmem>> -> memref<72xi32, #tpu.memory_space<vmem>>
    %dma_wait3A_173 = arith.constant 0 : i32
    %dma_wait3A_174 = arith.constant 0 : i32
    %dma_wait3A_175 = tpu.memref_slice %arg2[%dma_wait3A_173, %dma_wait3A_174] : memref<100002x128xf32, #tpu.memory_space<hbm>> -> memref<100002x128xf32, #tpu.memory_space<hbm>>
    tpu.wait_indirect_dma semaphore(%arg13 : memref<!tpu.dma_semaphore, #tpu.memory_space<semaphore_mem>>) src(%dma_wait3A_175 : memref<100002x128xf32, #tpu.memory_space<hbm>>) dst(%dma_wait3A_169 : memref<72x128xf32, #tpu.memory_space<vmem>>)
    %add3A_176 = arith.constant 6200 : i32
    %add3A_177 = arith.addi %mul3A_6, %add3A_176 : i32
    "tpu.region"() ({
      %run_scoped3A = tpu.sem_alloc : memref<!tpu.dma_semaphore, #tpu.memory_space<semaphore_mem>>
      %dma_start3A_178 = arith.constant 0 : i32
      %dma_start3A_179 = tpu.memref_slice %arg4[%add3A_177, %dma_start3A_178] : memref<204800x128xf32, #tpu.memory_space<hbm>> -> memref<200x128xf32, #tpu.memory_space<hbm>>
      %dma_start3A_180 = arith.constant 0 : i32
      %dma_start3A_181 = tpu.memref_slice %arg4[%add3A_177, %dma_start3A_180] : memref<204800x128xf32, #tpu.memory_space<hbm>> -> memref<200x128xf32, #tpu.memory_space<hbm>>
      tpu.enqueue_dma source(%arg9 : memref<200x128xf32, #tpu.memory_space<vmem>>) target(%dma_start3A_181 : memref<200x128xf32, #tpu.memory_space<hbm>>) target_semaphore(%run_scoped3A : memref<!tpu.dma_semaphore, #tpu.memory_space<semaphore_mem>>)
      %dma_wait3A_182 = arith.constant 0 : i32
      %dma_wait3A_183 = tpu.memref_slice %arg4[%add3A_177, %dma_wait3A_182] : memref<204800x128xf32, #tpu.memory_space<hbm>> -> memref<200x128xf32, #tpu.memory_space<hbm>>
      %dma_wait3A_184 = arith.constant 0 : i32
      %dma_wait3A_185 = tpu.memref_slice %arg4[%add3A_177, %dma_wait3A_184] : memref<204800x128xf32, #tpu.memory_space<hbm>> -> memref<200x128xf32, #tpu.memory_space<hbm>>
      tpu.wait_dma2 semaphore(%run_scoped3A : memref<!tpu.dma_semaphore, #tpu.memory_space<semaphore_mem>>) src(%arg9 : memref<200x128xf32, #tpu.memory_space<vmem>>) dst(%dma_wait3A_185 : memref<200x128xf32, #tpu.memory_space<hbm>>)
      tpu.yield
    }) : () -> ()
    return
  }
}

module attributes {stable_mosaic.version = 14 : i64} {
  func.func @_mask_body(%arg0: memref<1024x200xi32, #tpu.memory_space<vmem>>, %arg1: memref<1024x200xi32, #tpu.memory_space<vmem>>) attributes {dimension_semantics = [], scalar_prefetch = 0 : i64, scratch_operands = 0 : i64, tpu.core_type = #tpu.core_type<tc>} {
    %get3A = arith.constant 0 : index
    %get3A_0 = arith.constant 0 : index
    %get3A_1 = vector.load %arg0[%get3A, %get3A_0] : memref<1024x200xi32, #tpu.memory_space<vmem>>, vector<1024x200xi32>
    %ne3A = arith.constant 0 : i32
    %ne3A_2 = vector.broadcast %ne3A : i32 to vector<1024x200xi32>
    %ne3A_3 = arith.cmpi ne, %get3A_1, %ne3A_2 : vector<1024x200xi32>
    %jit3A = arith.constant 1 : i32
    %jit3A_4 = arith.constant 0 : i32
    %broadcast_in_dim3A = vector.broadcast %jit3A : i32 to vector<1024x200xi32>
    %broadcast_in_dim3A_5 = vector.broadcast %jit3A_4 : i32 to vector<1024x200xi32>
    %select_n3A = arith.select %ne3A_3, %broadcast_in_dim3A, %broadcast_in_dim3A_5 : vector<1024x200xi1>, vector<1024x200xi32>
    %swap3A = arith.constant 0 : index
    %swap3A_6 = arith.constant 0 : index
    %swap3A_7 = vector.load %arg1[%swap3A, %swap3A_6] : memref<1024x200xi32, #tpu.memory_space<vmem>>, vector<1024x200xi32>
    tpu.vector_store %arg1[%swap3A, %swap3A_6], %select_n3A {strides = array<i32>} : memref<1024x200xi32, #tpu.memory_space<vmem>>, vector<1024x200xi32>,
    return
  }
}

</mosaic_0001>

<sc_bundles>
// kernel: _embed.4.cloned.1.call-start
scs
__scs_entry_jumppad:
0x0: {  	(pc) =	sbr.rel $0x88, $3  }
0x1: {  	(tag) =	ssettag $0x0;
	lr =	simm.s32 $0x1  }
0x2: {  	[smem:$0x3F9F] =	sst lr;
	_ =	strace $0xD0000000  }
0x3: {  	_ = 	snop  }
0x4: {  	_ = 	snop  }
0x5: {  	_ = 	snop  }
0x6: {  	_ = 	snop  }
0x7: {  	_ = 	snop  }
__scs_overlays_trampoline_lowered:
0x8: {  	[smem:$0x3FAE] =	sst s0  }
0x9: {  	[smem:$0x3FAF] =	sst s1  }
0xa: {  	[smem:$0x3FB0] =	sst s2  }
0xb: {  	[smem:$0x3FB1] =	sst s3  }
0xc: {  	[smem:$0x3FB2] =	sst s4  }
0xd: {  	[smem:$0x3FB3] =	sst s5  }
0xe: {  	[smem:$0x3FB4] =	sst s6  }
0xf: {  	[smem:$0x3FB5] =	sst s7  }
0x10: {  	[smem:$0x3FB6] =	sst s8  }
0x11: {  	[smem:$0x3FB7] =	sst s9;
	s0 =	simm.s32 @!p0 $0x0  }
0x12: {  	s1 =	sld [smem:$0x3F9D];
	s0 =	simm.s32 @p0 $0x1  }
0x13: {  	[smem:$0x3FB8] =	sst s0;
	s0 =	simm.s32 @!p1 $0x0  }
0x14: {  	s2 =	sld [smem:$0x3F9C];
	s0 =	simm.s32 @p1 $0x1  }
0x15: {  	[smem:$0x3FB9] =	sst s0;
	s0 =	simm.s32 @!p2 $0x0  }
0x16: {  	s3 =	sld [smem:$0x3FDB];
	s0 =	simm.s32 @p2 $0x1  }
0x17: {  	s4 =	simm.s32 $0x1BF5;
	[smem:$0x3FBB] =	sst s0  }
0x18: {  	s0 =	sld [smem:$0x3F9E];
	_ =	swait.ge [sflag:s4], $0x0  }
0x19: {  	s7 =	sld [smem:$0x3F9F]  }
0x1a: {  	s8 =	sadd.s32 $0xFFFFE003, lr  }
0x1b: {  	s9 =	sadd.s32 $0xFFFFFEF7, lr;
	s5 =	simm.s32 $0xFFFFFFFF;
	p2 =	slt.u32 s8, $0xFFFFF086  }
0x1c: {  	p1 =	slt.u32 s9, $0xF7A;
	s5 =	simm.s32 @!p2 $0x0  }
0x1d: {  	s5 =	simm.s32 @p1 $0x1;
	p0 =	seq.s32 s7, s2  }
0x1e: {  	s7 =	smul.u32 @!p0 $0xF7A, s2;
	p2 =	seq.s32 @!p0 s5, $0x0  }
0x1f: {  	s9 =	smul.u32 $0xF7A, s1;
	s8 =	simm.s32 @!p0 $0x1BF5;
	p2 =	por !p2, p0  }
0x20: {  	[sflag:s8] =	ssyncset.s32 @!p0 $0xFFFFF086;
	s6 =	sadd.s32 @!p0 s3, s7;
	s7 =	simm.s32 @!p0 $0x108  }
0x21: {  	s3 =	sadd.s32 s3, s9;
	s6 =	sadd.s32 @!p0 $0x88, s6;
	s7 =	simm.s32 @p2 $0x1082  }
0x22: {  	[simem:s7], [sflag:s8] =	dma.local @!p0 [hbm:s6], $0xF7A  }
0x23: {  	s9 =	sor.u32 $0xD0000000, s2;
	s6 =	simm.s32 $0x108;
	_ =	swait.ge @!p0 [sflag:s8], $0x0  }
0x24: {  	s3 =	sadd.s32 $0x88, s3;
	s6 =	simm.s32 @!p1 $0x1082;
	[sflag:s4] =	ssyncset.s32 $0xFFFFF086  }
0x25: {  	[simem:s6], [sflag:s4] =	dma.local [hbm:s3], $0xF7A  }
0x26: {  	[smem:$0x3F9F] =	sst s1;
	(tag) =	ssettag s2;
	_ =	strace s9  }
0x27: {  	s1 =	sld [smem:$0x3FAF]  }
0x28: {  	s2 =	sld [smem:$0x3FB0]  }
0x29: {  	s4 =	sld [smem:$0x3FB2]  }
0x2a: {  	p0 =	seq.s32 s5, $0x0;
	s5 =	sld [smem:$0x3FB3]  }
0x2b: {  	s6 =	sld [smem:$0x3FB4]  }
0x2c: {  	s7 =	sld [smem:$0x3FB5]  }
0x2d: {  	s3 =	simm.s32 $0x108;
	s8 =	sld [smem:$0x3FB6]  }
0x2e: {  	s3 =	simm.s32 @!p0 $0x1082;
	s9 =	sld [smem:$0x3FB7]  }
0x2f: {  	lr =	sadd.s32 s0, s3;
	s0 =	sld [smem:$0x3FAE]  }
0x30: {  	s3 =	sld [smem:$0x3FB1]  }
0x31: {  	[smem:$0x3FBA] =	sst s10  }
0x32: {  	s10 =	sld [smem:$0x3FB8];
	_ =	sdelay $0x3  }
0x33: {  	p0 =	seq.s32 s10, $0x1;
	s10 =	sld [smem:$0x3FBA];
	_ =	sdelay $0x3  }
0x34: {  	[smem:$0x3FBA] =	sst s10  }
0x35: {  	s10 =	sld [smem:$0x3FB9];
	_ =	sdelay $0x3  }
0x36: {  	p1 =	seq.s32 s10, $0x1;
	s10 =	sld [smem:$0x3FBA];
	_ =	sdelay $0x3  }
0x37: {  	[smem:$0x3FBA] =	sst s10  }
0x38: {  	s10 =	sld [smem:$0x3FBB]  }
0x39: {  	_ = 	snop;
	(pc) =	sbr.ind lr, $3  }
0x3a: {  	_ = 	snop  }
0x3b: {  	_ = 	snop  }
0x3c: {  	p2 =	seq.s32 s10, $0x1;
	s10 =	sld [smem:$0x3FBA]  }
0x3d: {  	_ =	shalt  }
0x3e: {  	_ =	shalt  }
0x3f: {  	_ =	shalt  }
0x40: {  	_ =	shalt  }
0x41: {  	_ =	shalt  }
0x42: {  	_ =	shalt  }
0x43: {  	_ =	shalt  }
0x44: {  	_ =	shalt  }
0x45: {  	_ =	shalt  }
0x46: {  	_ =	shalt  }
0x47: {  	_ =	shalt  }
0x48: {  	_ =	shalt  }
0x49: {  	_ =	shalt  }
0x4a: {  	_ =	shalt  }
0x4b: {  	_ =	shalt  }
0x4c: {  	_ =	shalt  }
0x4d: {  	_ =	shalt  }
0x4e: {  	_ =	shalt  }
0x4f: {  	_ =	shalt  }
0x50: {  	_ =	shalt  }
0x51: {  	_ =	shalt  }
0x52: {  	_ =	shalt  }
0x53: {  	_ =	shalt  }
0x54: {  	_ =	shalt  }
0x55: {  	_ =	shalt  }
0x56: {  	_ =	shalt  }
0x57: {  	_ =	shalt  }
0x58: {  	_ =	shalt  }
0x59: {  	_ =	shalt  }
0x5a: {  	_ =	shalt  }
0x5b: {  	_ =	shalt  }
0x5c: {  	_ =	shalt  }
0x5d: {  	_ =	shalt  }
0x5e: {  	_ =	shalt  }
0x5f: {  	_ =	shalt  }
0x60: {  	_ =	shalt  }
0x61: {  	_ =	shalt  }
0x62: {  	_ =	shalt  }
0x63: {  	_ =	shalt  }
0x64: {  	_ =	shalt  }
0x65: {  	_ =	shalt  }
0x66: {  	_ =	shalt  }
0x67: {  	_ =	shalt  }
0x68: {  	_ =	shalt  }
0x69: {  	_ =	shalt  }
0x6a: {  	_ =	shalt  }
0x6b: {  	_ =	shalt  }
0x6c: {  	_ =	shalt  }
0x6d: {  	_ =	shalt  }
0x6e: {  	_ =	shalt  }
0x6f: {  	_ =	shalt  }
0x70: {  	_ =	shalt  }
0x71: {  	_ =	shalt  }
0x72: {  	_ =	shalt  }
0x73: {  	_ =	shalt  }
0x74: {  	_ =	shalt  }
0x75: {  	_ =	shalt  }
0x76: {  	_ =	shalt  }
0x77: {  	_ =	shalt  }
0x78: {  	_ =	shalt  }
0x79: {  	_ =	shalt  }
0x7a: {  	_ =	shalt  }
0x7b: {  	_ =	shalt  }
0x7c: {  	_ =	shalt  }
0x7d: {  	_ =	shalt  }
0x7e: {  	_ =	shalt  }
0x7f: {  	_ =	shalt  }
0x80: {  	_ =	shalt  }
0x81: {  	_ =	shalt  }
0x82: {  	_ =	shalt  }
0x83: {  	_ =	shalt  }
0x84: {  	_ =	shalt  }
0x85: {  	_ =	shalt  }
0x86: {  	_ =	shalt  }
0x87: {  	_ =	shalt  }
.Lfunc_end0:
.L_simem_size_0:
called_computation_lowered:
.L_overlay_start_0:
0x88: {  	s2 =	sld [smem:$0x3FD9]  }
0x89: {  	s3 =	sld [smem:$0x3FFE];
	_ =	sdelay $0x1  }
0x8a: {  	s1 =	srdreg.scid  }
0x8b: {  	s0 =	sand.u32 $0x1, s1  }
0x8c: {  	s14 =	sshll.u32 s0, $0xA;
	s2 =	sadd.s32 s3, s2  }
0x8d: {  	s2 =	sadd.s32 s2, s14  }
0x8e: {  	[smem:$0x3FC6] =	sst s2  }
0x8f: {  	_ = 	snop  }
0x90: {  	s2 =	sld [smem:$0x3FD0];
	_ =	sdelay $0x2  }
0x91: {  	s4 =	simm.s32 $0xA;
	s5 =	simm.s32 $0x10;
	s15 =	sld [smem:$0x3FC9]  }
0x92: {  	[smem:s5], [sflag:s4] =	dma.local [hbm:s2], $0x1  }
0x93: {  	_ =	swait.eq [sflag:s4], $0x1  }
0x94: {  	[sflag:s4] =	ssyncset.done $0x0  }
0x95: {  	[sflag:s4] =	ssyncadd.s32 $0xFFFFFFFF  }
0x96: {  	s16 =	sld [smem:$0x10];
	(tm) =	ssettm $0x1  }
0x97: {  	s17 =	sld [smem:$0x3FFB];
	_ =	sdelay $0x3  }
0x98: {  	_ =	strace s17  }
0x99: {  	s4 =	sld [smem:$0x3FFC];
	_ =	sdelay $0x3  }
0x9a: {  	_ =	strace s4  }
0x9b: {  	s4 =	sld [smem:$0x3FFD];
	_ =	sdelay $0x3  }
0x9c: {  	_ =	strace s4  }
0x9d: {  	_ =	strace $0x8FFFFFFF  }
0x9e: {  	s18 =	sld [smem:$0x3FDB];
	_ =	sdelay $0x1  }
0x9f: {  	s19 =	simm.s32 $_scs_section_size  }
0xa0: {  	s6 =	simm.s32 $_size__tile_overlayer_lowered;
	s7 =	simm.s32 $_tile_overlayer_lowered  }
0xa1: {  	s22 =	simm.s32 $0x1BFF;
	s21 =	sshll.u32 s7, $0x1;
	s4 =	sadd.s32 s19, s18  }
0xa2: {  	s8 =	simm.s32 $0x0;
	s20 =	sshll.u32 s6, $0x1;
	s6 =	sadd.s32 s21, s4  }
0xa3: {  	[timem:s8], [sflag:s22] =	dma.local [hbm:s6], s20  }
0xa4: {  	_ =	swait.ge [sflag:s22], s20  }
0xa5: {  	s5 =	ssub.s32 $0x0, s20;
	[sflag:s22] =	ssyncset.done $0x0  }
0xa6: {  	[sflag:s22] =	ssyncadd.s32 s5;
	_ =	sdelay $0x1  }
0xa7: {  	s23 =	simm.s32 $0x1B8B  }
0xa8: {  	_ =	swait.ge [sflag:s23], $0x1  }
0xa9: {  	[sflag:s23] =	ssyncset.done $0x0  }
0xaa: {  	s25 =	simm.s32 $0x1B8E;
	s24 =	sld [smem:$0x3FFE];
	[sflag:s23] =	ssyncadd.s32 $0xFFFFFFFF  }
0xab: {  	s26 =	simm.s32 $execute0_lowered;
	[smem:$0x3FD2] =	sst s25  }
0xac: {  	s6 =	sshll.u32 s26, $0x1;
	_ =	strace $0x80000046;
	[dreg:$0x1] =	wrdreg $0xFFFFFFFF  }
0xad: {  	s28 =	simm.s32 $_size_execute0_lowered;
	s4 =	sadd.s32 s4, s6;
	[dreg:$0x0] =	wrdreg $0x0  }
0xae: {  	s6 =	sshll.u32 s28, $0x1;
	[dreg:$0x2] =	wrdreg s4  }
0xaf: {  	[dreg:$0x3] =	wrdreg s6  }
0xb0: {  	[dreg:$0x4] =	wrdreg $0xC0  }
0xb1: {  	_ =	task [dreg:s8], $0x5FFFF  }
0xb2: {  	[dreg:$0x1] =	wrdreg $0xFFFFFFFF  }
0xb3: {  	[dreg:$0x0] =	wrdreg $0x60  }
0xb4: {  	[dreg:$0x2] =	wrdreg s15  }
0xb5: {  	[dreg:$0x3] =	wrdreg s24  }
0xb6: {  	[dreg:$0x4] =	wrdreg s16  }
0xb7: {  	[dreg:$0x5] =	wrdreg $0x9  }
0xb8: {  	_ =	task.clear_ibuf [dreg:s8], $0x6FFFF;
	_ =	strace $0x90000046  }
0xb9: {  	s29 =	simm.s32 $0x9;
	_ =	strace $0x80000048  }
0xba: {  	_ =	swait.ge [sflag:s29], $0x1  }
0xbb: {  	[sflag:s29] =	ssyncadd.s32 $0xFFFFFFFF  }
0xbc: {  	_ =	strace $0x90000048  }
0xbd: {  	_ =	sfence  }
0xbe: {  	s30 =	sld [smem:$0x0];
	_ =	sdelay $0x2  }
0xbf: {  	s31 =	sshll.u32 s1, $0xD;
	s1 =	sshrl.u32 s1, $0x2  }
0xc0: {  	s3 =	sand.u32 $0x4000, s31;
	s1 =	sadd.s32 s1, s30  }
0xc1: {  	s0 =	sor.u32 s3, s0;
	s1 =	sshll.u32 s1, $0x11  }
0xc2: {  	s0 =	sor.u32 s1, s0  }
0xc3: {  	s0 =	sadd.s32 $0x8F2B, s0  }
0xc4: {  	[sflag:s0] =	ssyncadd.remote.s32 $0x1  }
0xc5: {  	_ =	sfence.sel $0xFFFF  }
0xc6: {  	[dreg:$0x0] =	wrdreg $0xFFFFFFFF;
	(pc) =	sbr.abs _section_cstart, $3  }
0xc7: {  	[dreg:$0x1] =	wrdreg $0xFFFFFFFF  }
0xc8: {  	_ =	task.clear_ibuf [dreg:s8], $0x2FFFF;
	_ =	strace $0x9FFFFFFF  }
0xc9: {  	(tm) =	ssettm $0x7FFFFFFF  }
tec
execute0_lowered:
.L_overlay_start_1:
0x0: {  	(tag) =	ssettag $0x1  }
0x1: {  	s1 =	rddreg [dreg:$0x0]  }
0x2: {  	s0 =	rddreg [dreg:$0x1]  }
0x3: {  	s2 =	rddreg [dreg:$0x2]  }
0x4: {  	s4 =	srdreg.scid;
	s8 =	stileid.u32  }
0x5: {  	s3 =	simm.s32 $0x0;
	s11 =	simm.s32 $0x5;
	s12 =	simm.s32 $0x80  }
0x6: {  	s13 =	simm.s32 $0x2000;
	s14 =	simm.s32 $0x48;
	s16 =	simm.s32 $0x6000  }
0x7: {  	s17 =	simm.s32 $0x8400;
	s19 =	simm.s32 $0xC400;
	s28 =	simm.s32 $0x18C00  }
0x8: {  	s29 =	simm.s32 $0x1;
	s30 =	simm.s32 $0x2;
	s31 =	simm.s32 $0x3  }
0x9: {  	s5 =	sand.u32 $0x1, s4;
	s21 =	sshll.u32 s8, $0x1;
	[smem:$0x7FF] =	sst s3  }
0xa: {  	s24 =	smul.u32 $0x32000, s8;
	s4 =	sor.u32 s5, s21;
	s7 =	ssub.s32 $0x2, s5  }
0xb: {  	_ =	strace $0x80000047;
	s10 =	smul.u32 $0x19000, s5;
	s6 =	sshll.u32 s4, $0xA  }
0xc: {  	s4 =	smul.u32 $0xC8000, s4;
	s22 =	sshrl.u32 s7, $0x1;
	s0 =	sadd.s32 s6, s0  }
0xd: {  	s21 =	simm.s32 $0xE800;
	s9 =	ssub.s32 s7, s22;
	s0 =	sadd.s32 $0x600, s0  }
0xe: {  	s23 =	sshrl.u32 s4, $0x3;
	s9 =	smax.u32 s9, $0x1;
	[dreg:$0x4] =	wrdreg s0  }
0xf: {  	s25 =	sadd.s32 s2, s23;
	s2 =	sadd.s32 s24, s2;
	s23 =	simm.s32 $0x12800  }
0x10: {  	s0 =	simm.s32 $0x4;
	s5 =	sadd.s32 $0x15E00, s25;
	s6 =	sadd.s32 $0x16A80, s25  }
0x11: {  	s7 =	sadd.s32 $0x17700, s25;
	s8 =	sadd.s32 $0x18380, s25;
	s26 =	sadd.s32 s10, s2  }
0x12: {  	s25 =	simm.s32 $0x14C00;
	s2 =	simm.s32 $0x0;
	s10 =	sadd.s32 $0x2580, s26  }
.LBB2_1:
0x13: {  	s4 =	rddreg [dreg:$0x4]  }
0x14: {  	[tilespmem:s3], [sflag:$0x5] =	stream.linear.gather [hbm4b:s4+s3], $0x2000, $0x38;
	[tilespmem:$0x1B000] =	vst v63  }
0x15: {  	_ =	swait.ge [sflag:s11], $0x2000  }
0x16: {  	[sflag:s11] =	ssyncset.done $0x0  }
0x17: {  	[sflag:s11] =	ssyncadd.s32 $0xFFFFE000  }
0x18: {  	[tilespmem:s13], [sflag:$0x1] =	stream.indirect.gather [hbm4b:s1+s12], $0x80, s3, s12, $0xb8;
	[tilespmem:$0x1B000] =	vst v63  }
0x19: {  	s22 =	simm.s32 $0x400  }
0x1a: {  	[tilespmem:s16], [sflag:$0x1] =	stream.indirect.gather [hbm4b:s1+s14], $0x80, s22, s14, $0xb8;
	[tilespmem:$0x1B000] =	vst v63  }
0x1b: {  	_ = 	snop  }
0x1c: {  	[tilespmem:s17], [sflag:$0x2] =	stream.indirect.gather [hbm4b:s1+s12], $0x80, s12, s12, $0xb8;
	[tilespmem:$0x1B000] =	vst v63  }
0x1d: {  	s24 =	simm.s32 $0x480  }
0x1e: {  	[tilespmem:s19], [sflag:$0x2] =	stream.indirect.gather [hbm4b:s1+s14], $0x80, s24, s14, $0xb8;
	[tilespmem:$0x1B000] =	vst v63  }
0x1f: {  	s26 =	simm.s32 $0x100  }
0x20: {  	[tilespmem:s21], [sflag:$0x3] =	stream.indirect.gather [hbm4b:s1+s12], $0x80, s26, s12, $0xb8;
	[tilespmem:$0x1B000] =	vst v63  }
0x21: {  	s15 =	simm.s32 $0x500  }
0x22: {  	[tilespmem:s23], [sflag:$0x3] =	stream.indirect.gather [hbm4b:s1+s14], $0x80, s15, s14, $0xb8;
	[tilespmem:$0x1B000] =	vst v63  }
0x23: {  	s18 =	simm.s32 $0x180  }
0x24: {  	[tilespmem:s25], [sflag:$0x4] =	stream.indirect.gather [hbm4b:s1+s12], $0x80, s18, s12, $0xb8;
	[tilespmem:$0x1B000] =	vst v63  }
0x25: {  	s20 =	simm.s32 $0x580  }
0x26: {  	[tilespmem:s28], [sflag:$0x4] =	stream.indirect.gather [hbm4b:s1+s14], $0x80, s20, s14, $0xb8;
	[tilespmem:$0x1B000] =	vst v63  }
0x27: {  	_ =	swait.ge [sflag:s29], $0x4000  }
0x28: {  	[sflag:s29] =	ssyncset.done $0x0  }
0x29: {  	[sflag:s29] =	ssyncadd.s32 $0xFFFFC000  }
0x2a: {  	p0 =	por $0x1, $0x1;
	s15 =	simm.s32 $0x1;
	_ =	swait.ge [sflag:s29], $0x2400  }
0x2b: {  	s22 =	simm.s32 $0x400;
	s15 =	simm.s32 @!p0 $0x0;
	[sflag:s29] =	ssyncset.done $0x0  }
0x2c: {  	s15 =	sshll.u32 s15, $0x9;
	s18 =	sadd.s32 $0xFFFFDA80, s10;
	[sflag:s29] =	ssyncadd.s32 $0xFFFFDC00  }
0x2d: {  	[hbm4b:s18+s3] =	stream.linear.scatter [tilespmem:s13], [sflag:$0x5], $0x6400, $0x38;
	[tilespmem:$0x1B000] =	vst v63  }
0x2e: {  	s15 =	sadd.s32 $0xB00, s15;
	s20 =	simm.s32 $0x200;
	_ =	swait.ge [sflag:s11], $0x6400  }
0x2f: {  	s20 =	sand.u32 $0x200, s20;
	s18 =	sand.u32 $0x3800, s22;
	[sflag:s11] =	ssyncset.done $0x0  }
0x30: {  	s15 =	sadd.s32 $0xFFFFF900, s15;
	s18 =	sor.u32 s20, s18;
	[sflag:s11] =	ssyncadd.s32 $0xFFFF9C00  }
0x31: {  	[tilespmem:s13], [sflag:$0x1] =	stream.indirect.gather [hbm4b:s1+s12], $0x80, s18, s12, $0xb8;
	[tilespmem:$0x1B000] =	vst v63  }
0x32: {  	s15 =	sor.u32 $0x400, s15  }
0x33: {  	[tilespmem:s16], [sflag:$0x1] =	stream.indirect.gather [hbm4b:s1+s14], $0x80, s15, s14, $0xb8;
	[tilespmem:$0x1B000] =	vst v63  }
0x34: {  	_ =	swait.ge [sflag:s30], $0x4000  }
0x35: {  	[sflag:s30] =	ssyncset.done $0x0  }
0x36: {  	[sflag:s30] =	ssyncadd.s32 $0xFFFFC000  }
0x37: {  	_ =	swait.ge [sflag:s30], $0x2400  }
0x38: {  	[sflag:s30] =	ssyncset.done $0x0  }
0x39: {  	s24 =	sadd.s32 $0xFFFFE700, s10;
	[sflag:s30] =	ssyncadd.s32 $0xFFFFDC00  }
0x3a: {  	[hbm4b:s24+s3] =	stream.linear.scatter [tilespmem:s17], [sflag:$0x5], $0x6400, $0x38;
	[tilespmem:$0x1B000] =	vst v63  }
0x3b: {  	s4 =	simm.s32 $0x280;
	s26 =	simm.s32 $0x500;
	_ =	swait.ge [sflag:s11], $0x6400  }
0x3c: {  	s18 =	sand.u32 $0x280, s4;
	s15 =	sand.u32 $0x3800, s26;
	[sflag:s11] =	ssyncset.done $0x0  }
0x3d: {  	s15 =	sor.u32 s18, s15;
	[sflag:s11] =	ssyncadd.s32 $0xFFFF9C00  }
0x3e: {  	[tilespmem:s17], [sflag:$0x2] =	stream.indirect.gather [hbm4b:s1+s12], $0x80, s15, s12, $0xb8;
	[tilespmem:$0x1B000] =	vst v63  }
0x3f: {  	s15 =	sor.u32 $0x400, s15  }
0x40: {  	[tilespmem:s19], [sflag:$0x2] =	stream.indirect.gather [hbm4b:s1+s14], $0x80, s15, s14, $0xb8;
	[tilespmem:$0x1B000] =	vst v63  }
0x41: {  	_ =	swait.ge [sflag:s31], $0x4000  }
0x42: {  	[sflag:s31] =	ssyncset.done $0x0  }
0x43: {  	[sflag:s31] =	ssyncadd.s32 $0xFFFFC000  }
0x44: {  	_ =	swait.ge [sflag:s31], $0x2400  }
0x45: {  	[sflag:s31] =	ssyncset.done $0x0  }
0x46: {  	s18 =	sadd.s32 $0xFFFFF380, s10;
	[sflag:s31] =	ssyncadd.s32 $0xFFFFDC00  }
0x47: {  	[hbm4b:s18+s3] =	stream.linear.scatter [tilespmem:s21], [sflag:$0x5], $0x6400, $0x38;
	[tilespmem:$0x1B000] =	vst v63  }
0x48: {  	s22 =	simm.s32 $0x300;
	s20 =	simm.s32 $0x600;
	_ =	swait.ge [sflag:s11], $0x6400  }
0x49: {  	s15 =	sand.u32 $0x3800, s20;
	s18 =	sand.u32 $0x300, s22;
	[sflag:s11] =	ssyncset.done $0x0  }
0x4a: {  	s15 =	sor.u32 s18, s15;
	[sflag:s11] =	ssyncadd.s32 $0xFFFF9C00  }
0x4b: {  	[tilespmem:s21], [sflag:$0x3] =	stream.indirect.gather [hbm4b:s1+s12], $0x80, s15, s12, $0xb8;
	[tilespmem:$0x1B000] =	vst v63  }
0x4c: {  	s15 =	sor.u32 $0x400, s15  }
0x4d: {  	[tilespmem:s23], [sflag:$0x3] =	stream.indirect.gather [hbm4b:s1+s14], $0x80, s15, s14, $0xb8;
	[tilespmem:$0x1B000] =	vst v63  }
0x4e: {  	_ =	swait.ge [sflag:s0], $0x4000  }
0x4f: {  	[sflag:s0] =	ssyncset.done $0x0  }
0x50: {  	[sflag:s0] =	ssyncadd.s32 $0xFFFFC000  }
0x51: {  	_ =	swait.ge [sflag:s0], $0x2400  }
0x52: {  	[sflag:s0] =	ssyncset.done $0x0  }
0x53: {  	p0 =	por !p0, !p0;
	[sflag:s0] =	ssyncadd.s32 $0xFFFFDC00  }
0x54: {  	[hbm4b:s10+s3] =	stream.linear.scatter [tilespmem:s25], [sflag:$0x5], $0x6400, $0x38;
	[tilespmem:$0x1B000] =	vst v63  }
0x55: {  	s26 =	simm.s32 $0x380;
	s24 =	simm.s32 $0x700;
	_ =	swait.ge [sflag:s11], $0x6400  }
0x56: {  	s18 =	sand.u32 $0x380, s26;
	s15 =	sand.u32 $0x3800, s24;
	[sflag:s11] =	ssyncset.done $0x0  }
0x57: {  	s20 =	simm.s32 $0xB00;
	s18 =	sor.u32 s18, s15;
	[sflag:s11] =	ssyncadd.s32 $0xFFFF9C00  }
0x58: {  	[tilespmem:s25], [sflag:$0x4] =	stream.indirect.gather [hbm4b:s1+s12], $0x80, s18, s12, $0xb8;
	[tilespmem:$0x1B000] =	vst v63  }
0x59: {  	s15 =	simm.s32 $0x580;
	s22 =	sor.u32 $0x400, s18;
	s18 =	sadd.s32 $0x3200, s10  }
.LBB2_2:
0x5a: {  	[tilespmem:s28], [sflag:$0x4] =	stream.indirect.gather [hbm4b:s1+s14], $0x80, s22, s14, $0xb8;
	[tilespmem:$0x1B000] =	vst v63  }
0x5b: {  	s22 =	smov.u32 s20;
	s26 =	simm.s32 $0x1  }
0x5c: {  	s24 =	sadd.s32 $0x400, s20;
	s26 =	simm.s32 @!p0 $0x0;
	_ =	swait.ge [sflag:s29], $0x4000  }
0x5d: {  	p1 =	sne.s32 s20, $0x1F00;
	s26 =	sshll.u32 s26, $0x9;
	[sflag:s29] =	ssyncset.done $0x0  }
0x5e: {  	[sflag:s29] =	ssyncadd.s32 $0xFFFFC000;
	s20 =	sadd.s32 s26, s24  }
0x5f: {  	_ =	swait.ge [sflag:s29], $0x2400;
	s20 =	sadd.s32 $0xFFFFF900, s20  }
0x60: {  	[sflag:s29] =	ssyncset.done $0x0  }
0x61: {  	s26 =	sadd.s32 $0xFFFFDA80, s18;
	[sflag:s29] =	ssyncadd.s32 $0xFFFFDC00  }
0x62: {  	[hbm4b:s26+s3] =	stream.linear.scatter [tilespmem:s13], [sflag:$0x5], $0x6400, $0x38;
	[tilespmem:$0x1B000] =	vst v63  }
0x63: {  	s4 =	sadd.s32 $0xFFFFFE80, s15;
	s26 =	sadd.s32 $0xFFFFFD00, s22;
	_ =	swait.ge [sflag:s11], $0x6400  }
0x64: {  	s4 =	sand.u32 $0x200, s4;
	s26 =	sand.u32 $0x3800, s26;
	[sflag:s11] =	ssyncset.done $0x0  }
0x65: {  	s4 =	sor.u32 s4, s26;
	[sflag:s11] =	ssyncadd.s32 $0xFFFF9C00  }
0x66: {  	[tilespmem:s13], [sflag:$0x1] =	stream.indirect.gather [hbm4b:s1+s12], $0x80, s4, s12, $0xb8;
	[tilespmem:$0x1B000] =	vst v63  }
0x67: {  	s4 =	sor.u32 $0x400, s20  }
0x68: {  	[tilespmem:s16], [sflag:$0x1] =	stream.indirect.gather [hbm4b:s1+s14], $0x80, s4, s14, $0xb8;
	[tilespmem:$0x1B000] =	vst v63  }
0x69: {  	_ =	swait.ge [sflag:s30], $0x4000  }
0x6a: {  	[sflag:s30] =	ssyncset.done $0x0  }
0x6b: {  	[sflag:s30] =	ssyncadd.s32 $0xFFFFC000  }
0x6c: {  	_ =	swait.ge [sflag:s30], $0x2400  }
0x6d: {  	[sflag:s30] =	ssyncset.done $0x0  }
0x6e: {  	s4 =	sadd.s32 $0xFFFFE700, s18;
	[sflag:s30] =	ssyncadd.s32 $0xFFFFDC00  }
0x6f: {  	[hbm4b:s4+s3] =	stream.linear.scatter [tilespmem:s17], [sflag:$0x5], $0x6400, $0x38;
	[tilespmem:$0x1B000] =	vst v63  }
0x70: {  	s20 =	sadd.s32 $0xFFFFFF00, s15;
	s4 =	sadd.s32 $0xFFFFFE00, s22;
	_ =	swait.ge [sflag:s11], $0x6400  }
0x71: {  	s20 =	sand.u32 $0x280, s20;
	s4 =	sand.u32 $0x3800, s4;
	[sflag:s11] =	ssyncset.done $0x0  }
0x72: {  	s4 =	sor.u32 s20, s4;
	[sflag:s11] =	ssyncadd.s32 $0xFFFF9C00  }
0x73: {  	[tilespmem:s17], [sflag:$0x2] =	stream.indirect.gather [hbm4b:s1+s12], $0x80, s4, s12, $0xb8;
	[tilespmem:$0x1B000] =	vst v63  }
0x74: {  	s4 =	sor.u32 $0x400, s4  }
0x75: {  	[tilespmem:s19], [sflag:$0x2] =	stream.indirect.gather [hbm4b:s1+s14], $0x80, s4, s14, $0xb8;
	[tilespmem:$0x1B000] =	vst v63  }
0x76: {  	_ =	swait.ge [sflag:s31], $0x4000  }
0x77: {  	[sflag:s31] =	ssyncset.done $0x0  }
0x78: {  	[sflag:s31] =	ssyncadd.s32 $0xFFFFC000  }
0x79: {  	_ =	swait.ge [sflag:s31], $0x2400  }
0x7a: {  	[sflag:s31] =	ssyncset.done $0x0  }
0x7b: {  	s4 =	sadd.s32 $0xFFFFF380, s18;
	[sflag:s31] =	ssyncadd.s32 $0xFFFFDC00  }
0x7c: {  	[hbm4b:s4+s3] =	stream.linear.scatter [tilespmem:s21], [sflag:$0x5], $0x6400, $0x38;
	[tilespmem:$0x1B000] =	vst v63  }
0x7d: {  	s20 =	sadd.s32 $0xFFFFFF80, s15;
	s4 =	sadd.s32 $0xFFFFFF00, s22;
	_ =	swait.ge [sflag:s11], $0x6400  }
0x7e: {  	s20 =	sand.u32 $0x300, s20;
	s4 =	sand.u32 $0x3800, s4;
	[sflag:s11] =	ssyncset.done $0x0  }
0x7f: {  	s4 =	sor.u32 s20, s4;
	[sflag:s11] =	ssyncadd.s32 $0xFFFF9C00  }
0x80: {  	[tilespmem:s21], [sflag:$0x3] =	stream.indirect.gather [hbm4b:s1+s12], $0x80, s4, s12, $0xb8;
	[tilespmem:$0x1B000] =	vst v63  }
0x81: {  	s4 =	sor.u32 $0x400, s4  }
0x82: {  	[tilespmem:s23], [sflag:$0x3] =	stream.indirect.gather [hbm4b:s1+s14], $0x80, s4, s14, $0xb8;
	[tilespmem:$0x1B000] =	vst v63  }
0x83: {  	_ =	swait.ge [sflag:s0], $0x4000  }
0x84: {  	[sflag:s0] =	ssyncset.done $0x0  }
0x85: {  	[sflag:s0] =	ssyncadd.s32 $0xFFFFC000  }
0x86: {  	_ =	swait.ge [sflag:s0], $0x2400  }
0x87: {  	[sflag:s0] =	ssyncset.done $0x0  }
0x88: {  	[sflag:s0] =	ssyncadd.s32 $0xFFFFDC00  }
0x89: {  	[hbm4b:s18+s3] =	stream.linear.scatter [tilespmem:s25], [sflag:$0x5], $0x6400, $0x38;
	[tilespmem:$0x1B000] =	vst v63  }
.Ltmp0:
0x8a: {  	p0 =	por !p0, !p0;
	_ =	swait.ge [sflag:s11], $0x6400;
	(pc) =	sbr.rel @p1 .LBB2_2-.Ltmp0, $4  }
0x8b: {  	s20 =	sand.u32 $0x380, s15;
	s4 =	sand.u32 $0x3800, s22;
	[sflag:s11] =	ssyncset.done $0x0  }
0x8c: {  	s15 =	sadd.s32 $0x200, s15;
	s4 =	sor.u32 s20, s4;
	[sflag:s11] =	ssyncadd.s32 $0xFFFF9C00  }
0x8d: {  	[tilespmem:s25], [sflag:$0x4] =	stream.indirect.gather [hbm4b:s1+s12], $0x80, s4, s12, $0xb8;
	[tilespmem:$0x1B000] =	vst v63  }
0x8e: {  	s20 =	smov.u32 s24;
	s22 =	sor.u32 $0x400, s4;
	s18 =	sadd.s32 $0x3200, s18  }
0x8f: {  	[tilespmem:s28], [sflag:$0x4] =	stream.indirect.gather [hbm4b:s1+s14], $0x80, s22, s14, $0xb8;
	[tilespmem:$0x1B000] =	vst v63  }
0x90: {  	_ =	swait.ge [sflag:s29], $0x4000  }
0x91: {  	[sflag:s29] =	ssyncset.done $0x0  }
0x92: {  	[sflag:s29] =	ssyncadd.s32 $0xFFFFC000  }
0x93: {  	_ =	swait.ge [sflag:s29], $0x2400  }
0x94: {  	[sflag:s29] =	ssyncset.done $0x0  }
0x95: {  	[sflag:s29] =	ssyncadd.s32 $0xFFFFDC00  }
0x96: {  	[hbm4b:s5+s3] =	stream.linear.scatter [tilespmem:s13], [sflag:$0x5], $0x6400, $0x38;
	[tilespmem:$0x1B000] =	vst v63  }
0x97: {  	_ =	swait.ge [sflag:s11], $0x6400  }
0x98: {  	[sflag:s11] =	ssyncset.done $0x0  }
0x99: {  	[sflag:s11] =	ssyncadd.s32 $0xFFFF9C00  }
0x9a: {  	_ =	swait.ge [sflag:s30], $0x4000  }
0x9b: {  	[sflag:s30] =	ssyncset.done $0x0  }
0x9c: {  	[sflag:s30] =	ssyncadd.s32 $0xFFFFC000  }
0x9d: {  	_ =	swait.ge [sflag:s30], $0x2400  }
0x9e: {  	[sflag:s30] =	ssyncset.done $0x0  }
0x9f: {  	[sflag:s30] =	ssyncadd.s32 $0xFFFFDC00  }
0xa0: {  	[hbm4b:s6+s3] =	stream.linear.scatter [tilespmem:s17], [sflag:$0x5], $0x6400, $0x38;
	[tilespmem:$0x1B000] =	vst v63  }
0xa1: {  	_ =	swait.ge [sflag:s11], $0x6400  }
0xa2: {  	[sflag:s11] =	ssyncset.done $0x0  }
0xa3: {  	[sflag:s11] =	ssyncadd.s32 $0xFFFF9C00  }
0xa4: {  	_ =	swait.ge [sflag:s31], $0x4000  }
0xa5: {  	[sflag:s31] =	ssyncset.done $0x0  }
0xa6: {  	[sflag:s31] =	ssyncadd.s32 $0xFFFFC000  }
0xa7: {  	_ =	swait.ge [sflag:s31], $0x2400  }
0xa8: {  	[sflag:s31] =	ssyncset.done $0x0  }
0xa9: {  	[sflag:s31] =	ssyncadd.s32 $0xFFFFDC00  }
0xaa: {  	[hbm4b:s7+s3] =	stream.linear.scatter [tilespmem:s21], [sflag:$0x5], $0x6400, $0x38;
	[tilespmem:$0x1B000] =	vst v63  }
0xab: {  	_ =	swait.ge [sflag:s11], $0x6400  }
0xac: {  	[sflag:s11] =	ssyncset.done $0x0  }
0xad: {  	[sflag:s11] =	ssyncadd.s32 $0xFFFF9C00  }
0xae: {  	_ =	swait.ge [sflag:s0], $0x4000  }
0xaf: {  	[sflag:s0] =	ssyncset.done $0x0  }
0xb0: {  	[sflag:s0] =	ssyncadd.s32 $0xFFFFC000  }
0xb1: {  	s2 =	sadd.s32 $0x1, s2;
	_ =	swait.ge [sflag:s0], $0x2400  }
0xb2: {  	p0 =	sne.s32 s2, s9;
	[sflag:s0] =	ssyncset.done $0x0  }
.Ltmp1:
0xb3: {  	[sflag:s0] =	ssyncadd.s32 $0xFFFFDC00;
	(pc) =	sbr.rel @p0 .LBB2_1-.Ltmp1, $4  }
0xb4: {  	[hbm4b:s8+s3] =	stream.linear.scatter [tilespmem:s25], [sflag:$0x5], $0x6400, $0x38;
	[tilespmem:$0x1B000] =	vst v63  }
0xb5: {  	_ =	swait.ge [sflag:s11], $0x6400  }
0xb6: {  	[sflag:s11] =	ssyncset.done $0x0  }
0xb7: {  	[sflag:s11] =	ssyncadd.s32 $0xFFFF9C00  }
0xb8: {  	_ =	sfence.sel $0x180000  }
0xb9: {  	[bflag:$0x0] =	sbarrier.arrive $0xFFFF  }
0xba: {  	_ =	strace $0x90000047  }
0xbb: {  	s0 =	stileid.u32;
	[bflag:$0x2] =	sbarrier.arrive $0xFFFF  }
0xbc: {  	p0 =	sne.s32 s0, $0x0;
	s0 =	rddreg [dreg:$0x3]  }
0xbd: {  	s0 =	sadd.s32 @!p0 $0x100000, s0  }
0xbe: {  	[sflag:s0] =	ssyncadd.tile.s32 @!p0 $0x1;
	_ =	shalt  }
.Lfunc_end2:
_tile_overlayer_lowered:
.L_overlay_start_2:
0xbf: {  	(tag) =	ssettag $0x2  }
0xc0: {  	s0 =	rddreg [dreg:$0x0];
	s2 =	stileid.u32  }
0xc1: {  	s1 =	rddreg [dreg:$0x1];
	p0 =	sne.s32 s2, $0x0  }
0xc2: {  	s3 =	rddreg [dreg:$0x2];
	[bflag:$0x3] =	sbarrier.arrive $0xFFFF;
	s2 =	simm.s32 @!p0 $0x1C05  }
0xc3: {  	[timem:s3], [sflag:s2] =	dma.local @!p0 [hbm:s0], s1  }
0xc4: {  	s0 =	simm.s32 @!p0 $0x5  }
0xc5: {  	_ =	swait.ge @!p0 [sflag:s0], s1  }
0xc6: {  	s1 =	ssub.s32 @!p0 $0x0, s1;
	[sflag:s0] =	ssyncset.done @!p0 $0x0  }
0xc7: {  	[sflag:s0] =	ssyncadd.s32 @!p0 s1  }
0xc8: {  	[bflag:$0x3] =	sbarrier.arrive $0xFFFF  }
0xc9: {  	_ =	shalt  }

</sc_bundles>
